<compile_context>
chip_gen: v7x
topology: tpu7x:2x2x1
jax: 0.10.2.dev20260603
libtpu: 0.0.44.dev20260713+nightly
codegen_flags: <defaults>
</compile_context>

<pallas_src>
import functools

import jax
import jax.numpy as jnp
from jax import lax
from jax.experimental import pallas as pl
from jax.experimental.pallas import tpu as pltpu
from jax.experimental.pallas import tpu_sc as plsc

_NC = 2
_NS = 16
_K = 128


def _sc_aggregate(x, srcA, srcB, dst, edge_attr):
    N, D = x.shape
    E = edge_attr.shape[0]
    K = _K
    W = _NC * _NS
    NCH = E // K
    JMAX = (NCH + W - 1) // W
    VEC = D // 16
    ZK = 80
    ZB = N // ZK
    ZPT = (ZB + _NS - 1) // _NS

    mesh = plsc.VectorSubcoreMesh(core_axis_name="c", subcore_axis_name="s",
                                  num_cores=_NC, num_subcores=_NS)

    @functools.partial(
        pl.kernel,
        out_type=jax.ShapeDtypeStruct((_NC, N, D), jnp.float32),
        mesh=mesh,
        scratch_types=[
            pltpu.VMEM((K // 2,), jnp.int32),
            pltpu.VMEM((K // 2,), jnp.int32),
            pltpu.VMEM((K,), jnp.int32),
            pltpu.VMEM((K, D), jnp.float32),
            pltpu.VMEM((K, D), jnp.float32),
            pltpu.VMEM((K, D), jnp.float32),
            pltpu.SemaphoreType.DMA,
            pltpu.SemaphoreType.DMA,
            pltpu.SemaphoreType.DMA,
            pltpu.SemaphoreType.DMA,
            pltpu.SemaphoreType.DMA,
            pltpu.SemaphoreType.DMA,
            pltpu.SemaphoreType.DMA,
            pltpu.SemaphoreType.DMA,
            pltpu.VMEM_SHARED((N, D), jnp.float32),
        ],
    )
    def agg(x_hbm, srcA_hbm, srcB_hbm, dst_hbm, ea_hbm, parts_hbm,
            srcA_k, srcB_k, dst_k, ea0, ea1, xg_v,
            siA, siB, sd, se0, se1, sgA, sgB, ss, acc):
        c = lax.axis_index("c")
        s = lax.axis_index("s")
        w = c * _NS + s

        ea_v = (ea0, ea1)
        se = (se0, se1)
        xga = xg_v.at[pl.ds(0, K // 2)]
        xgb = xg_v.at[pl.ds(K // 2, K // 2)]

        zero = jnp.zeros((16,), jnp.float32)

        def zrow(r, carry):
            for t in range(VEC):
                xg_v[r, pl.ds(t * 16, 16)] = zero
            return carry

        lax.fori_loop(0, ZK, zrow, 0)
        for i in range(ZPT):
            blk = s * ZPT + i
            @pl.when(blk < ZB)
            def _():
                pltpu.sync_copy(xg_v.at[pl.ds(0, ZK)],
                                acc.at[pl.ds(blk * ZK, ZK)])
        plsc.subcore_barrier()

        @pl.when(w < NCH)
        def _():
            pltpu.async_copy(srcA_hbm.at[w, 0], srcA_k, siA)
            pltpu.async_copy(srcB_hbm.at[w, 0], srcB_k, siB)
            pltpu.async_copy(dst_hbm.at[pl.ds(w * K, K)], dst_k, sd)
            pltpu.async_copy(ea_hbm.at[pl.ds(w * K, K)], ea0, se0)

        def chunk_body(j, carry):
            cid = j * W + w
            nbase = (cid + W) * K
            even = lax.rem(j, 2) == 0

            @pl.when((j > 0) & (cid - W < NCH))
            def _():
                pltpu.make_async_copy(xg_v, acc.at[dst_k], ss).wait()
                @pl.when(cid < NCH)
                def _():
                    pltpu.async_copy(dst_hbm.at[pl.ds(cid * K, K)],
                                     dst_k, sd)

            @pl.when(cid < NCH)
            def _():
                pltpu.make_async_copy(srcA_hbm.at[cid, 0],
                                      srcA_k, siA).wait()
                pltpu.make_async_copy(srcB_hbm.at[cid, 0],
                                      srcB_k, siB).wait()
                ga = pltpu.async_copy(x_hbm.at[srcA_k], xga, sgA)
                gb = pltpu.async_copy(x_hbm.at[srcB_k], xgb, sgB)
                ga.wait()
                gb.wait()

                @pl.when(cid + W < NCH)
                def _():
                    pltpu.async_copy(srcA_hbm.at[cid + W, 0], srcA_k, siA)
                    pltpu.async_copy(srcB_hbm.at[cid + W, 0], srcB_k, siB)

                def relu_from(ea_ref):
                    def rrow(r, inner):
                        for t in range(VEC):
                            slc = pl.ds(t * 16, 16)
                            xg_v[r, slc] = jnp.maximum(
                                xg_v[r, slc] + ea_ref[r, slc], 0.0)
                        return inner
                    lax.fori_loop(0, K, rrow, 0)

                @pl.when(even)
                def _():
                    pltpu.make_async_copy(ea_hbm.at[pl.ds(cid * K, K)],
                                          ea0, se0).wait()
                    @pl.when(cid + W < NCH)
                    def _():
                        pltpu.async_copy(ea_hbm.at[pl.ds(nbase, K)], ea1, se1)
                    relu_from(ea0)

                @pl.when(jnp.logical_not(even))
                def _():
                    pltpu.make_async_copy(ea_hbm.at[pl.ds(cid * K, K)],
                                          ea1, se1).wait()
                    @pl.when(cid + W < NCH)
                    def _():
                        pltpu.async_copy(ea_hbm.at[pl.ds(nbase, K)], ea0, se0)
                    relu_from(ea1)

                pltpu.make_async_copy(dst_hbm.at[pl.ds(cid * K, K)],
                                      dst_k, sd).wait()
                pltpu.async_copy(xg_v, acc.at[dst_k], ss, add=True)

            return carry

        lax.fori_loop(0, JMAX + 1, chunk_body, 0)

        plsc.subcore_barrier()
        for i in range(ZPT):
            blk = s * ZPT + i
            @pl.when(blk < ZB)
            def _():
                pltpu.sync_copy(acc.at[pl.ds(blk * ZK, ZK)],
                                parts_hbm.at[c, pl.ds(blk * ZK, ZK)])

    return agg(x, srcA, srcB, dst, edge_attr)


def _mlp(x, parts, W1, b1, W2, b2, BN=1000):
    N, D = x.shape

    def body(x_ref, p_ref, w1_ref, b1_ref, w2_ref, b2_ref, o_ref):
        h = x_ref[...] + p_ref[0] + p_ref[1]
        h = lax.dot_general(h, w1_ref[...], (((1,), (1,)), ((), ())),
                            preferred_element_type=jnp.float32)
        h = jnp.maximum(h + b1_ref[...], 0.0)
        o = lax.dot_general(h, w2_ref[...], (((1,), (1,)), ((), ())),
                            preferred_element_type=jnp.float32)
        o_ref[...] = o + b2_ref[...]

    return pl.pallas_call(
        body,
        grid=(N // BN,),
        in_specs=[
            pl.BlockSpec((BN, D), lambda i: (i, 0)),
            pl.BlockSpec((_NC, BN, D), lambda i: (0, i, 0)),
            pl.BlockSpec((D, D), lambda i: (0, 0)),
            pl.BlockSpec((1, D), lambda i: (0, 0)),
            pl.BlockSpec((D, D), lambda i: (0, 0)),
            pl.BlockSpec((1, D), lambda i: (0, 0)),
        ],
        out_specs=pl.BlockSpec((BN, D), lambda i: (i, 0)),
        out_shape=jax.ShapeDtypeStruct((N, D), jnp.float32),
    )(x, parts, W1, b1.reshape(1, D), W2, b2.reshape(1, D))


def kernel(x, edge_index, edge_attr, W1, b1, W2, b2):
    E = edge_attr.shape[0]
    src2 = edge_index[0].astype(jnp.int32).reshape(E // _K, 2, _K // 2)
    srcA = src2[:, 0:1]
    srcB = src2[:, 1:2]
    dst = edge_index[1].astype(jnp.int32)
    parts = _sc_aggregate(x, srcA, srcB, dst, edge_attr)
    return _mlp(x, parts, W1, b1, W2, b2)

# --- scband reference (transcript-rebuilt; emitter-appended) ---
"""Pipeline reference for scband-ginelayer-4638564679686 (READ-ONLY COPY).

The authoritative reference and input builder live on the scoring server;
editing this copy changes nothing except your own understanding.
"""

import jax, jax.numpy as jnp
import numpy as np

N = 10000
E = 320000
D = 128


def setup_inputs(seed: int = 0) -> dict:
    key = jax.random.key(seed)
    k1, k2, k3, k4, k5 = jax.random.split(key, 5)
    x = jax.random.normal(k1, (N, D), dtype=jnp.float32)
    edge_index = jax.random.randint(k2, (2, E), 0, N, dtype=jnp.int64)
    edge_attr = jax.random.normal(k3, (E, D), dtype=jnp.float32)
    # GIN MLP parameters: Linear(D, D) -> ReLU -> Linear(D, D)
    W1 = jax.random.normal(k4, (D, D), dtype=jnp.float32) * (1.0 / np.sqrt(D))
    b1 = jnp.zeros((D,), dtype=jnp.float32)
    W2 = jax.random.normal(k5, (D, D), dtype=jnp.float32) * (1.0 / np.sqrt(D))
    b2 = jnp.zeros((D,), dtype=jnp.float32)
    return {"x": x, "edge_index": edge_index, "edge_attr": edge_attr,
            "W1": W1, "b1": b1, "W2": W2, "b2": b2}


def reference(x, edge_index, edge_attr, W1, b1, W2, b2):
    # GINEConv (PyG): out = nn((1 + eps) * x_i + sum_{j in N(i)} ReLU(x_j + e_ji))
    # eps = 0.0 (default, train_eps=False)
    src = edge_index[0]
    dst = edge_index[1]
    # message: ReLU(x_j + edge_attr)  -- gather on src nodes
    msg = jax.nn.relu(jnp.take(x, src, axis=0) + edge_attr)
    # aggregate: scatter-add into dst nodes
    agg = jax.ops.segment_sum(msg, dst, num_segments=x.shape[0])
    h = (1.0 + 0.0) * x + agg
    # gin_nn MLP: Linear -> ReLU -> Linear
    h = jax.nn.relu(h @ W1.T + b1)
    out = h @ W2.T + b2
    return out

if __name__ == "__main__":
    import jax
    _d = setup_inputs()
    print(jax.jit(kernel)(*tuple(_d.values())))

</pallas_src>

<mosaic_0001>
#map = affine_map<(d0, d1) -> (0, 0)>
#map1 = affine_map<(d0, d1) -> (0, 0, 0)>
#map2 = affine_map<(d0, d1) -> (0)>
module attributes {stable_mosaic.version = 14 : i64} {
  func.func @agg(%arg0: i32, %arg1: i32, %arg2: memref<10000x128xf32, #tpu.memory_space<hbm>>, %arg3: memref<2500x1x64xi32, #tpu.memory_space<hbm>>, %arg4: memref<2500x1x64xi32, #tpu.memory_space<hbm>>, %arg5: memref<320000xi32, #tpu.memory_space<hbm>>, %arg6: memref<320000x128xf32, #tpu.memory_space<hbm>>, %arg7: memref<2x10000x128xf32, #tpu.memory_space<hbm>>, %arg8: memref<64xi32, #tpu.memory_space<vmem>>, %arg9: memref<64xi32, #tpu.memory_space<vmem>>, %arg10: memref<128xi32, #tpu.memory_space<vmem>>, %arg11: memref<128x128xf32, #tpu.memory_space<vmem>>, %arg12: memref<128x128xf32, #tpu.memory_space<vmem>>, %arg13: memref<128x128xf32, #tpu.memory_space<vmem>>, %arg14: memref<!tpu.dma_semaphore, #tpu.memory_space<semaphore_mem>>, %arg15: memref<!tpu.dma_semaphore, #tpu.memory_space<semaphore_mem>>, %arg16: memref<!tpu.dma_semaphore, #tpu.memory_space<semaphore_mem>>, %arg17: memref<!tpu.dma_semaphore, #tpu.memory_space<semaphore_mem>>, %arg18: memref<!tpu.dma_semaphore, #tpu.memory_space<semaphore_mem>>, %arg19: memref<!tpu.dma_semaphore, #tpu.memory_space<semaphore_mem>>, %arg20: memref<!tpu.dma_semaphore, #tpu.memory_space<semaphore_mem>>, %arg21: memref<!tpu.dma_semaphore, #tpu.memory_space<semaphore_mem>>, %arg22: memref<10000x128xf32, #tpu.memory_space<vmem_shared>>) attributes {dimension_semantics = [#tpu.dimension_semantics<core_parallel>, #tpu.dimension_semantics<subcore_parallel>], iteration_bounds = array<i64: 2, 16>, scalar_prefetch = 0 : i64, scratch_operands = 15 : i64, tpu.core_type = #tpu.core_type<sc_vector_subcore>, window_params = [{transform_indices = #map}, {transform_indices = #map1}, {transform_indices = #map1}, {transform_indices = #map2}, {transform_indices = #map}, {transform_indices = #map1}]} {
    %mul3A = arith.constant 16 : i32
    %mul3A_0 = arith.muli %arg0, %mul3A : i32
    %add3A = arith.addi %mul3A_0, %arg1 : i32
    %broadcast_in_dim3A = arith.constant 0.000000e+00 : f32
    %broadcast_in_dim3A_1 = vector.broadcast %broadcast_in_dim3A : f32 to vector<16xf32>
    %scan3A = arith.constant 0 : i32
    %scan3A_2 = arith.constant 0 : i32
    %scan3A_3 = arith.constant 80 : i32
    %scan3A_4 = arith.addi %scan3A_2, %scan3A_3 : i32
    %scan3A_5 = arith.constant 1 : i32
    scf.for %scan3A_160 = %scan3A_2 to %scan3A_4 step %scan3A_5  : i32 {
      %swap3A = arith.index_cast %scan3A_160 : i32 to index
      %swap3A_161 = arith.constant 0 : index
      %swap3A_162 = tpu.vector_load %arg13[%swap3A, %swap3A_161] {strides = array<i32>} : memref<128x128xf32, #tpu.memory_space<vmem>>, vector<1x16xf32>,
      %swap3A_163 = vector.shape_cast %swap3A_162 : vector<1x16xf32> to vector<16xf32>
      %swap3A_164 = vector.shape_cast %broadcast_in_dim3A_1 : vector<16xf32> to vector<1x16xf32>
      tpu.vector_store %arg13[%swap3A, %swap3A_161], %swap3A_164 {strides = array<i32>} : memref<128x128xf32, #tpu.memory_space<vmem>>, vector<1x16xf32>,
      %swap3A_165 = arith.index_cast %scan3A_160 : i32 to index
      %swap3A_166 = arith.constant 16 : index
      %swap3A_167 = tpu.vector_load %arg13[%swap3A_165, %swap3A_166] {strides = array<i32>} : memref<128x128xf32, #tpu.memory_space<vmem>>, vector<1x16xf32>,
      %swap3A_168 = vector.shape_cast %swap3A_167 : vector<1x16xf32> to vector<16xf32>
      %swap3A_169 = vector.shape_cast %broadcast_in_dim3A_1 : vector<16xf32> to vector<1x16xf32>
      tpu.vector_store %arg13[%swap3A_165, %swap3A_166], %swap3A_169 {strides = array<i32>} : memref<128x128xf32, #tpu.memory_space<vmem>>, vector<1x16xf32>,
      %swap3A_170 = arith.index_cast %scan3A_160 : i32 to index
      %swap3A_171 = arith.constant 32 : index
      %swap3A_172 = tpu.vector_load %arg13[%swap3A_170, %swap3A_171] {strides = array<i32>} : memref<128x128xf32, #tpu.memory_space<vmem>>, vector<1x16xf32>,
      %swap3A_173 = vector.shape_cast %swap3A_172 : vector<1x16xf32> to vector<16xf32>
      %swap3A_174 = vector.shape_cast %broadcast_in_dim3A_1 : vector<16xf32> to vector<1x16xf32>
      tpu.vector_store %arg13[%swap3A_170, %swap3A_171], %swap3A_174 {strides = array<i32>} : memref<128x128xf32, #tpu.memory_space<vmem>>, vector<1x16xf32>,
      %swap3A_175 = arith.index_cast %scan3A_160 : i32 to index
      %swap3A_176 = arith.constant 48 : index
      %swap3A_177 = tpu.vector_load %arg13[%swap3A_175, %swap3A_176] {strides = array<i32>} : memref<128x128xf32, #tpu.memory_space<vmem>>, vector<1x16xf32>,
      %swap3A_178 = vector.shape_cast %swap3A_177 : vector<1x16xf32> to vector<16xf32>
      %swap3A_179 = vector.shape_cast %broadcast_in_dim3A_1 : vector<16xf32> to vector<1x16xf32>
      tpu.vector_store %arg13[%swap3A_175, %swap3A_176], %swap3A_179 {strides = array<i32>} : memref<128x128xf32, #tpu.memory_space<vmem>>, vector<1x16xf32>,
      %swap3A_180 = arith.index_cast %scan3A_160 : i32 to index
      %swap3A_181 = arith.constant 64 : index
      %swap3A_182 = tpu.vector_load %arg13[%swap3A_180, %swap3A_181] {strides = array<i32>} : memref<128x128xf32, #tpu.memory_space<vmem>>, vector<1x16xf32>,
      %swap3A_183 = vector.shape_cast %swap3A_182 : vector<1x16xf32> to vector<16xf32>
      %swap3A_184 = vector.shape_cast %broadcast_in_dim3A_1 : vector<16xf32> to vector<1x16xf32>
      tpu.vector_store %arg13[%swap3A_180, %swap3A_181], %swap3A_184 {strides = array<i32>} : memref<128x128xf32, #tpu.memory_space<vmem>>, vector<1x16xf32>,
      %swap3A_185 = arith.index_cast %scan3A_160 : i32 to index
      %swap3A_186 = arith.constant 80 : index
      %swap3A_187 = tpu.vector_load %arg13[%swap3A_185, %swap3A_186] {strides = array<i32>} : memref<128x128xf32, #tpu.memory_space<vmem>>, vector<1x16xf32>,
      %swap3A_188 = vector.shape_cast %swap3A_187 : vector<1x16xf32> to vector<16xf32>
      %swap3A_189 = vector.shape_cast %broadcast_in_dim3A_1 : vector<16xf32> to vector<1x16xf32>
      tpu.vector_store %arg13[%swap3A_185, %swap3A_186], %swap3A_189 {strides = array<i32>} : memref<128x128xf32, #tpu.memory_space<vmem>>, vector<1x16xf32>,
      %swap3A_190 = arith.index_cast %scan3A_160 : i32 to index
      %swap3A_191 = arith.constant 96 : index
      %swap3A_192 = tpu.vector_load %arg13[%swap3A_190, %swap3A_191] {strides = array<i32>} : memref<128x128xf32, #tpu.memory_space<vmem>>, vector<1x16xf32>,
      %swap3A_193 = vector.shape_cast %swap3A_192 : vector<1x16xf32> to vector<16xf32>
      %swap3A_194 = vector.shape_cast %broadcast_in_dim3A_1 : vector<16xf32> to vector<1x16xf32>
      tpu.vector_store %arg13[%swap3A_190, %swap3A_191], %swap3A_194 {strides = array<i32>} : memref<128x128xf32, #tpu.memory_space<vmem>>, vector<1x16xf32>,
      %swap3A_195 = arith.index_cast %scan3A_160 : i32 to index
      %swap3A_196 = arith.constant 112 : index
      %swap3A_197 = tpu.vector_load %arg13[%swap3A_195, %swap3A_196] {strides = array<i32>} : memref<128x128xf32, #tpu.memory_space<vmem>>, vector<1x16xf32>,
      %swap3A_198 = vector.shape_cast %swap3A_197 : vector<1x16xf32> to vector<16xf32>
      %swap3A_199 = vector.shape_cast %broadcast_in_dim3A_1 : vector<16xf32> to vector<1x16xf32>
      tpu.vector_store %arg13[%swap3A_195, %swap3A_196], %swap3A_199 {strides = array<i32>} : memref<128x128xf32, #tpu.memory_space<vmem>>, vector<1x16xf32>,
    }
    %scan3A_6 = arith.constant 80 : i32
    %mul3A_7 = arith.constant 8 : i32
    %mul3A_8 = arith.muli %arg1, %mul3A_7 : i32
    %add3A_9 = arith.constant 0 : i32
    %add3A_10 = arith.addi %mul3A_8, %add3A_9 : i32
    %lt3A = arith.constant 125 : i32
    %lt3A_11 = arith.cmpi slt, %add3A_10, %lt3A : i32
    %convert_element_type3A = arith.extui %lt3A_11 : i1 to i32
    %cond3A = arith.constant 0 : i32
    %cond3A_12 = arith.cmpi ne, %convert_element_type3A, %cond3A : i32
    scf.if %cond3A_12 {
      %mul3A_160 = arith.constant 80 : i32
      %mul3A_161 = arith.muli %add3A_10, %mul3A_160 : i32
      "tpu.region"() ({
        %run_scoped3A = tpu.sem_alloc : memref<!tpu.dma_semaphore, #tpu.memory_space<semaphore_mem>>
        %dma_start3A = arith.constant 0 : i32
        %dma_start3A_162 = arith.constant 0 : i32
        %dma_start3A_163 = tpu.memref_slice %arg13[%dma_start3A, %dma_start3A_162] : memref<128x128xf32, #tpu.memory_space<vmem>> -> memref<80x128xf32, #tpu.memory_space<vmem>>
        %dma_start3A_164 = arith.constant 0 : i32
        %dma_start3A_165 = tpu.memref_slice %arg22[%mul3A_161, %dma_start3A_164] : memref<10000x128xf32, #tpu.memory_space<vmem_shared>> -> memref<80x128xf32, #tpu.memory_space<vmem_shared>>
        %dma_start3A_166 = arith.constant 0 : i32
        %dma_start3A_167 = tpu.memref_slice %arg22[%mul3A_161, %dma_start3A_166] : memref<10000x128xf32, #tpu.memory_space<vmem_shared>> -> memref<80x128xf32, #tpu.memory_space<vmem_shared>>
        %dma_start3A_168 = arith.constant 0 : i32
        %dma_start3A_169 = arith.constant 0 : i32
        %dma_start3A_170 = tpu.memref_slice %arg13[%dma_start3A_168, %dma_start3A_169] : memref<128x128xf32, #tpu.memory_space<vmem>> -> memref<80x128xf32, #tpu.memory_space<vmem>>
        tpu.enqueue_dma source(%dma_start3A_170 : memref<80x128xf32, #tpu.memory_space<vmem>>) target(%dma_start3A_167 : memref<80x128xf32, #tpu.memory_space<vmem_shared>>) target_semaphore(%run_scoped3A : memref<!tpu.dma_semaphore, #tpu.memory_space<semaphore_mem>>)
        %dma_wait3A = arith.constant 0 : i32
        %dma_wait3A_171 = arith.constant 0 : i32
        %dma_wait3A_172 = tpu.memref_slice %arg13[%dma_wait3A, %dma_wait3A_171] : memref<128x128xf32, #tpu.memory_space<vmem>> -> memref<80x128xf32, #tpu.memory_space<vmem>>
        %dma_wait3A_173 = arith.constant 0 : i32
        %dma_wait3A_174 = tpu.memref_slice %arg22[%mul3A_161, %dma_wait3A_173] : memref<10000x128xf32, #tpu.memory_space<vmem_shared>> -> memref<80x128xf32, #tpu.memory_space<vmem_shared>>
        %dma_wait3A_175 = arith.constant 0 : i32
        %dma_wait3A_176 = tpu.memref_slice %arg22[%mul3A_161, %dma_wait3A_175] : memref<10000x128xf32, #tpu.memory_space<vmem_shared>> -> memref<80x128xf32, #tpu.memory_space<vmem_shared>>
        %dma_wait3A_177 = arith.constant 0 : i32
        %dma_wait3A_178 = arith.constant 0 : i32
        %dma_wait3A_179 = tpu.memref_slice %arg13[%dma_wait3A_177, %dma_wait3A_178] : memref<128x128xf32, #tpu.memory_space<vmem>> -> memref<80x128xf32, #tpu.memory_space<vmem>>
        tpu.wait_dma2 semaphore(%run_scoped3A : memref<!tpu.dma_semaphore, #tpu.memory_space<semaphore_mem>>) src(%dma_wait3A_179 : memref<80x128xf32, #tpu.memory_space<vmem>>) dst(%dma_wait3A_176 : memref<80x128xf32, #tpu.memory_space<vmem_shared>>)
        tpu.yield
      }) : () -> ()
    } else {
    }
    %mul3A_13 = arith.constant 8 : i32
    %mul3A_14 = arith.muli %arg1, %mul3A_13 : i32
    %add3A_15 = arith.constant 1 : i32
    %add3A_16 = arith.addi %mul3A_14, %add3A_15 : i32
    %lt3A_17 = arith.constant 125 : i32
    %lt3A_18 = arith.cmpi slt, %add3A_16, %lt3A_17 : i32
    %convert_element_type3A_19 = arith.extui %lt3A_18 : i1 to i32
    %cond3A_20 = arith.constant 0 : i32
    %cond3A_21 = arith.cmpi ne, %convert_element_type3A_19, %cond3A_20 : i32
    scf.if %cond3A_21 {
      %mul3A_160 = arith.constant 80 : i32
      %mul3A_161 = arith.muli %add3A_16, %mul3A_160 : i32
      "tpu.region"() ({
        %run_scoped3A = tpu.sem_alloc : memref<!tpu.dma_semaphore, #tpu.memory_space<semaphore_mem>>
        %dma_start3A = arith.constant 0 : i32
        %dma_start3A_162 = arith.constant 0 : i32
        %dma_start3A_163 = tpu.memref_slice %arg13[%dma_start3A, %dma_start3A_162] : memref<128x128xf32, #tpu.memory_space<vmem>> -> memref<80x128xf32, #tpu.memory_space<vmem>>
        %dma_start3A_164 = arith.constant 0 : i32
        %dma_start3A_165 = tpu.memref_slice %arg22[%mul3A_161, %dma_start3A_164] : memref<10000x128xf32, #tpu.memory_space<vmem_shared>> -> memref<80x128xf32, #tpu.memory_space<vmem_shared>>
        %dma_start3A_166 = arith.constant 0 : i32
        %dma_start3A_167 = tpu.memref_slice %arg22[%mul3A_161, %dma_start3A_166] : memref<10000x128xf32, #tpu.memory_space<vmem_shared>> -> memref<80x128xf32, #tpu.memory_space<vmem_shared>>
        %dma_start3A_168 = arith.constant 0 : i32
        %dma_start3A_169 = arith.constant 0 : i32
        %dma_start3A_170 = tpu.memref_slice %arg13[%dma_start3A_168, %dma_start3A_169] : memref<128x128xf32, #tpu.memory_space<vmem>> -> memref<80x128xf32, #tpu.memory_space<vmem>>
        tpu.enqueue_dma source(%dma_start3A_170 : memref<80x128xf32, #tpu.memory_space<vmem>>) target(%dma_start3A_167 : memref<80x128xf32, #tpu.memory_space<vmem_shared>>) target_semaphore(%run_scoped3A : memref<!tpu.dma_semaphore, #tpu.memory_space<semaphore_mem>>)
        %dma_wait3A = arith.constant 0 : i32
        %dma_wait3A_171 = arith.constant 0 : i32
        %dma_wait3A_172 = tpu.memref_slice %arg13[%dma_wait3A, %dma_wait3A_171] : memref<128x128xf32, #tpu.memory_space<vmem>> -> memref<80x128xf32, #tpu.memory_space<vmem>>
        %dma_wait3A_173 = arith.constant 0 : i32
        %dma_wait3A_174 = tpu.memref_slice %arg22[%mul3A_161, %dma_wait3A_173] : memref<10000x128xf32, #tpu.memory_space<vmem_shared>> -> memref<80x128xf32, #tpu.memory_space<vmem_shared>>
        %dma_wait3A_175 = arith.constant 0 : i32
        %dma_wait3A_176 = tpu.memref_slice %arg22[%mul3A_161, %dma_wait3A_175] : memref<10000x128xf32, #tpu.memory_space<vmem_shared>> -> memref<80x128xf32, #tpu.memory_space<vmem_shared>>
        %dma_wait3A_177 = arith.constant 0 : i32
        %dma_wait3A_178 = arith.constant 0 : i32
        %dma_wait3A_179 = tpu.memref_slice %arg13[%dma_wait3A_177, %dma_wait3A_178] : memref<128x128xf32, #tpu.memory_space<vmem>> -> memref<80x128xf32, #tpu.memory_space<vmem>>
        tpu.wait_dma2 semaphore(%run_scoped3A : memref<!tpu.dma_semaphore, #tpu.memory_space<semaphore_mem>>) src(%dma_wait3A_179 : memref<80x128xf32, #tpu.memory_space<vmem>>) dst(%dma_wait3A_176 : memref<80x128xf32, #tpu.memory_space<vmem_shared>>)
        tpu.yield
      }) : () -> ()
    } else {
    }
    %mul3A_22 = arith.constant 8 : i32
    %mul3A_23 = arith.muli %arg1, %mul3A_22 : i32
    %add3A_24 = arith.constant 2 : i32
    %add3A_25 = arith.addi %mul3A_23, %add3A_24 : i32
    %lt3A_26 = arith.constant 125 : i32
    %lt3A_27 = arith.cmpi slt, %add3A_25, %lt3A_26 : i32
    %convert_element_type3A_28 = arith.extui %lt3A_27 : i1 to i32
    %cond3A_29 = arith.constant 0 : i32
    %cond3A_30 = arith.cmpi ne, %convert_element_type3A_28, %cond3A_29 : i32
    scf.if %cond3A_30 {
      %mul3A_160 = arith.constant 80 : i32
      %mul3A_161 = arith.muli %add3A_25, %mul3A_160 : i32
      "tpu.region"() ({
        %run_scoped3A = tpu.sem_alloc : memref<!tpu.dma_semaphore, #tpu.memory_space<semaphore_mem>>
        %dma_start3A = arith.constant 0 : i32
        %dma_start3A_162 = arith.constant 0 : i32
        %dma_start3A_163 = tpu.memref_slice %arg13[%dma_start3A, %dma_start3A_162] : memref<128x128xf32, #tpu.memory_space<vmem>> -> memref<80x128xf32, #tpu.memory_space<vmem>>
        %dma_start3A_164 = arith.constant 0 : i32
        %dma_start3A_165 = tpu.memref_slice %arg22[%mul3A_161, %dma_start3A_164] : memref<10000x128xf32, #tpu.memory_space<vmem_shared>> -> memref<80x128xf32, #tpu.memory_space<vmem_shared>>
        %dma_start3A_166 = arith.constant 0 : i32
        %dma_start3A_167 = tpu.memref_slice %arg22[%mul3A_161, %dma_start3A_166] : memref<10000x128xf32, #tpu.memory_space<vmem_shared>> -> memref<80x128xf32, #tpu.memory_space<vmem_shared>>
        %dma_start3A_168 = arith.constant 0 : i32
        %dma_start3A_169 = arith.constant 0 : i32
        %dma_start3A_170 = tpu.memref_slice %arg13[%dma_start3A_168, %dma_start3A_169] : memref<128x128xf32, #tpu.memory_space<vmem>> -> memref<80x128xf32, #tpu.memory_space<vmem>>
        tpu.enqueue_dma source(%dma_start3A_170 : memref<80x128xf32, #tpu.memory_space<vmem>>) target(%dma_start3A_167 : memref<80x128xf32, #tpu.memory_space<vmem_shared>>) target_semaphore(%run_scoped3A : memref<!tpu.dma_semaphore, #tpu.memory_space<semaphore_mem>>)
        %dma_wait3A = arith.constant 0 : i32
        %dma_wait3A_171 = arith.constant 0 : i32
        %dma_wait3A_172 = tpu.memref_slice %arg13[%dma_wait3A, %dma_wait3A_171] : memref<128x128xf32, #tpu.memory_space<vmem>> -> memref<80x128xf32, #tpu.memory_space<vmem>>
        %dma_wait3A_173 = arith.constant 0 : i32
        %dma_wait3A_174 = tpu.memref_slice %arg22[%mul3A_161, %dma_wait3A_173] : memref<10000x128xf32, #tpu.memory_space<vmem_shared>> -> memref<80x128xf32, #tpu.memory_space<vmem_shared>>
        %dma_wait3A_175 = arith.constant 0 : i32
        %dma_wait3A_176 = tpu.memref_slice %arg22[%mul3A_161, %dma_wait3A_175] : memref<10000x128xf32, #tpu.memory_space<vmem_shared>> -> memref<80x128xf32, #tpu.memory_space<vmem_shared>>
        %dma_wait3A_177 = arith.constant 0 : i32
        %dma_wait3A_178 = arith.constant 0 : i32
        %dma_wait3A_179 = tpu.memref_slice %arg13[%dma_wait3A_177, %dma_wait3A_178] : memref<128x128xf32, #tpu.memory_space<vmem>> -> memref<80x128xf32, #tpu.memory_space<vmem>>
        tpu.wait_dma2 semaphore(%run_scoped3A : memref<!tpu.dma_semaphore, #tpu.memory_space<semaphore_mem>>) src(%dma_wait3A_179 : memref<80x128xf32, #tpu.memory_space<vmem>>) dst(%dma_wait3A_176 : memref<80x128xf32, #tpu.memory_space<vmem_shared>>)
        tpu.yield
      }) : () -> ()
    } else {
    }
    %mul3A_31 = arith.constant 8 : i32
    %mul3A_32 = arith.muli %arg1, %mul3A_31 : i32
    %add3A_33 = arith.constant 3 : i32
    %add3A_34 = arith.addi %mul3A_32, %add3A_33 : i32
    %lt3A_35 = arith.constant 125 : i32
    %lt3A_36 = arith.cmpi slt, %add3A_34, %lt3A_35 : i32
    %convert_element_type3A_37 = arith.extui %lt3A_36 : i1 to i32
    %cond3A_38 = arith.constant 0 : i32
    %cond3A_39 = arith.cmpi ne, %convert_element_type3A_37, %cond3A_38 : i32
    scf.if %cond3A_39 {
      %mul3A_160 = arith.constant 80 : i32
      %mul3A_161 = arith.muli %add3A_34, %mul3A_160 : i32
      "tpu.region"() ({
        %run_scoped3A = tpu.sem_alloc : memref<!tpu.dma_semaphore, #tpu.memory_space<semaphore_mem>>
        %dma_start3A = arith.constant 0 : i32
        %dma_start3A_162 = arith.constant 0 : i32
        %dma_start3A_163 = tpu.memref_slice %arg13[%dma_start3A, %dma_start3A_162] : memref<128x128xf32, #tpu.memory_space<vmem>> -> memref<80x128xf32, #tpu.memory_space<vmem>>
        %dma_start3A_164 = arith.constant 0 : i32
        %dma_start3A_165 = tpu.memref_slice %arg22[%mul3A_161, %dma_start3A_164] : memref<10000x128xf32, #tpu.memory_space<vmem_shared>> -> memref<80x128xf32, #tpu.memory_space<vmem_shared>>
        %dma_start3A_166 = arith.constant 0 : i32
        %dma_start3A_167 = tpu.memref_slice %arg22[%mul3A_161, %dma_start3A_166] : memref<10000x128xf32, #tpu.memory_space<vmem_shared>> -> memref<80x128xf32, #tpu.memory_space<vmem_shared>>
        %dma_start3A_168 = arith.constant 0 : i32
        %dma_start3A_169 = arith.constant 0 : i32
        %dma_start3A_170 = tpu.memref_slice %arg13[%dma_start3A_168, %dma_start3A_169] : memref<128x128xf32, #tpu.memory_space<vmem>> -> memref<80x128xf32, #tpu.memory_space<vmem>>
        tpu.enqueue_dma source(%dma_start3A_170 : memref<80x128xf32, #tpu.memory_space<vmem>>) target(%dma_start3A_167 : memref<80x128xf32, #tpu.memory_space<vmem_shared>>) target_semaphore(%run_scoped3A : memref<!tpu.dma_semaphore, #tpu.memory_space<semaphore_mem>>)
        %dma_wait3A = arith.constant 0 : i32
        %dma_wait3A_171 = arith.constant 0 : i32
        %dma_wait3A_172 = tpu.memref_slice %arg13[%dma_wait3A, %dma_wait3A_171] : memref<128x128xf32, #tpu.memory_space<vmem>> -> memref<80x128xf32, #tpu.memory_space<vmem>>
        %dma_wait3A_173 = arith.constant 0 : i32
        %dma_wait3A_174 = tpu.memref_slice %arg22[%mul3A_161, %dma_wait3A_173] : memref<10000x128xf32, #tpu.memory_space<vmem_shared>> -> memref<80x128xf32, #tpu.memory_space<vmem_shared>>
        %dma_wait3A_175 = arith.constant 0 : i32
        %dma_wait3A_176 = tpu.memref_slice %arg22[%mul3A_161, %dma_wait3A_175] : memref<10000x128xf32, #tpu.memory_space<vmem_shared>> -> memref<80x128xf32, #tpu.memory_space<vmem_shared>>
        %dma_wait3A_177 = arith.constant 0 : i32
        %dma_wait3A_178 = arith.constant 0 : i32
        %dma_wait3A_179 = tpu.memref_slice %arg13[%dma_wait3A_177, %dma_wait3A_178] : memref<128x128xf32, #tpu.memory_space<vmem>> -> memref<80x128xf32, #tpu.memory_space<vmem>>
        tpu.wait_dma2 semaphore(%run_scoped3A : memref<!tpu.dma_semaphore, #tpu.memory_space<semaphore_mem>>) src(%dma_wait3A_179 : memref<80x128xf32, #tpu.memory_space<vmem>>) dst(%dma_wait3A_176 : memref<80x128xf32, #tpu.memory_space<vmem_shared>>)
        tpu.yield
      }) : () -> ()
    } else {
    }
    %mul3A_40 = arith.constant 8 : i32
    %mul3A_41 = arith.muli %arg1, %mul3A_40 : i32
    %add3A_42 = arith.constant 4 : i32
    %add3A_43 = arith.addi %mul3A_41, %add3A_42 : i32
    %lt3A_44 = arith.constant 125 : i32
    %lt3A_45 = arith.cmpi slt, %add3A_43, %lt3A_44 : i32
    %convert_element_type3A_46 = arith.extui %lt3A_45 : i1 to i32
    %cond3A_47 = arith.constant 0 : i32
    %cond3A_48 = arith.cmpi ne, %convert_element_type3A_46, %cond3A_47 : i32
    scf.if %cond3A_48 {
      %mul3A_160 = arith.constant 80 : i32
      %mul3A_161 = arith.muli %add3A_43, %mul3A_160 : i32
      "tpu.region"() ({
        %run_scoped3A = tpu.sem_alloc : memref<!tpu.dma_semaphore, #tpu.memory_space<semaphore_mem>>
        %dma_start3A = arith.constant 0 : i32
        %dma_start3A_162 = arith.constant 0 : i32
        %dma_start3A_163 = tpu.memref_slice %arg13[%dma_start3A, %dma_start3A_162] : memref<128x128xf32, #tpu.memory_space<vmem>> -> memref<80x128xf32, #tpu.memory_space<vmem>>
        %dma_start3A_164 = arith.constant 0 : i32
        %dma_start3A_165 = tpu.memref_slice %arg22[%mul3A_161, %dma_start3A_164] : memref<10000x128xf32, #tpu.memory_space<vmem_shared>> -> memref<80x128xf32, #tpu.memory_space<vmem_shared>>
        %dma_start3A_166 = arith.constant 0 : i32
        %dma_start3A_167 = tpu.memref_slice %arg22[%mul3A_161, %dma_start3A_166] : memref<10000x128xf32, #tpu.memory_space<vmem_shared>> -> memref<80x128xf32, #tpu.memory_space<vmem_shared>>
        %dma_start3A_168 = arith.constant 0 : i32
        %dma_start3A_169 = arith.constant 0 : i32
        %dma_start3A_170 = tpu.memref_slice %arg13[%dma_start3A_168, %dma_start3A_169] : memref<128x128xf32, #tpu.memory_space<vmem>> -> memref<80x128xf32, #tpu.memory_space<vmem>>
        tpu.enqueue_dma source(%dma_start3A_170 : memref<80x128xf32, #tpu.memory_space<vmem>>) target(%dma_start3A_167 : memref<80x128xf32, #tpu.memory_space<vmem_shared>>) target_semaphore(%run_scoped3A : memref<!tpu.dma_semaphore, #tpu.memory_space<semaphore_mem>>)
        %dma_wait3A = arith.constant 0 : i32
        %dma_wait3A_171 = arith.constant 0 : i32
        %dma_wait3A_172 = tpu.memref_slice %arg13[%dma_wait3A, %dma_wait3A_171] : memref<128x128xf32, #tpu.memory_space<vmem>> -> memref<80x128xf32, #tpu.memory_space<vmem>>
        %dma_wait3A_173 = arith.constant 0 : i32
        %dma_wait3A_174 = tpu.memref_slice %arg22[%mul3A_161, %dma_wait3A_173] : memref<10000x128xf32, #tpu.memory_space<vmem_shared>> -> memref<80x128xf32, #tpu.memory_space<vmem_shared>>
        %dma_wait3A_175 = arith.constant 0 : i32
        %dma_wait3A_176 = tpu.memref_slice %arg22[%mul3A_161, %dma_wait3A_175] : memref<10000x128xf32, #tpu.memory_space<vmem_shared>> -> memref<80x128xf32, #tpu.memory_space<vmem_shared>>
        %dma_wait3A_177 = arith.constant 0 : i32
        %dma_wait3A_178 = arith.constant 0 : i32
        %dma_wait3A_179 = tpu.memref_slice %arg13[%dma_wait3A_177, %dma_wait3A_178] : memref<128x128xf32, #tpu.memory_space<vmem>> -> memref<80x128xf32, #tpu.memory_space<vmem>>
        tpu.wait_dma2 semaphore(%run_scoped3A : memref<!tpu.dma_semaphore, #tpu.memory_space<semaphore_mem>>) src(%dma_wait3A_179 : memref<80x128xf32, #tpu.memory_space<vmem>>) dst(%dma_wait3A_176 : memref<80x128xf32, #tpu.memory_space<vmem_shared>>)
        tpu.yield
      }) : () -> ()
    } else {
    }
    %mul3A_49 = arith.constant 8 : i32
    %mul3A_50 = arith.muli %arg1, %mul3A_49 : i32
    %add3A_51 = arith.constant 5 : i32
    %add3A_52 = arith.addi %mul3A_50, %add3A_51 : i32
    %lt3A_53 = arith.constant 125 : i32
    %lt3A_54 = arith.cmpi slt, %add3A_52, %lt3A_53 : i32
    %convert_element_type3A_55 = arith.extui %lt3A_54 : i1 to i32
    %cond3A_56 = arith.constant 0 : i32
    %cond3A_57 = arith.cmpi ne, %convert_element_type3A_55, %cond3A_56 : i32
    scf.if %cond3A_57 {
      %mul3A_160 = arith.constant 80 : i32
      %mul3A_161 = arith.muli %add3A_52, %mul3A_160 : i32
      "tpu.region"() ({
        %run_scoped3A = tpu.sem_alloc : memref<!tpu.dma_semaphore, #tpu.memory_space<semaphore_mem>>
        %dma_start3A = arith.constant 0 : i32
        %dma_start3A_162 = arith.constant 0 : i32
        %dma_start3A_163 = tpu.memref_slice %arg13[%dma_start3A, %dma_start3A_162] : memref<128x128xf32, #tpu.memory_space<vmem>> -> memref<80x128xf32, #tpu.memory_space<vmem>>
        %dma_start3A_164 = arith.constant 0 : i32
        %dma_start3A_165 = tpu.memref_slice %arg22[%mul3A_161, %dma_start3A_164] : memref<10000x128xf32, #tpu.memory_space<vmem_shared>> -> memref<80x128xf32, #tpu.memory_space<vmem_shared>>
        %dma_start3A_166 = arith.constant 0 : i32
        %dma_start3A_167 = tpu.memref_slice %arg22[%mul3A_161, %dma_start3A_166] : memref<10000x128xf32, #tpu.memory_space<vmem_shared>> -> memref<80x128xf32, #tpu.memory_space<vmem_shared>>
        %dma_start3A_168 = arith.constant 0 : i32
        %dma_start3A_169 = arith.constant 0 : i32
        %dma_start3A_170 = tpu.memref_slice %arg13[%dma_start3A_168, %dma_start3A_169] : memref<128x128xf32, #tpu.memory_space<vmem>> -> memref<80x128xf32, #tpu.memory_space<vmem>>
        tpu.enqueue_dma source(%dma_start3A_170 : memref<80x128xf32, #tpu.memory_space<vmem>>) target(%dma_start3A_167 : memref<80x128xf32, #tpu.memory_space<vmem_shared>>) target_semaphore(%run_scoped3A : memref<!tpu.dma_semaphore, #tpu.memory_space<semaphore_mem>>)
        %dma_wait3A = arith.constant 0 : i32
        %dma_wait3A_171 = arith.constant 0 : i32
        %dma_wait3A_172 = tpu.memref_slice %arg13[%dma_wait3A, %dma_wait3A_171] : memref<128x128xf32, #tpu.memory_space<vmem>> -> memref<80x128xf32, #tpu.memory_space<vmem>>
        %dma_wait3A_173 = arith.constant 0 : i32
        %dma_wait3A_174 = tpu.memref_slice %arg22[%mul3A_161, %dma_wait3A_173] : memref<10000x128xf32, #tpu.memory_space<vmem_shared>> -> memref<80x128xf32, #tpu.memory_space<vmem_shared>>
        %dma_wait3A_175 = arith.constant 0 : i32
        %dma_wait3A_176 = tpu.memref_slice %arg22[%mul3A_161, %dma_wait3A_175] : memref<10000x128xf32, #tpu.memory_space<vmem_shared>> -> memref<80x128xf32, #tpu.memory_space<vmem_shared>>
        %dma_wait3A_177 = arith.constant 0 : i32
        %dma_wait3A_178 = arith.constant 0 : i32
        %dma_wait3A_179 = tpu.memref_slice %arg13[%dma_wait3A_177, %dma_wait3A_178] : memref<128x128xf32, #tpu.memory_space<vmem>> -> memref<80x128xf32, #tpu.memory_space<vmem>>
        tpu.wait_dma2 semaphore(%run_scoped3A : memref<!tpu.dma_semaphore, #tpu.memory_space<semaphore_mem>>) src(%dma_wait3A_179 : memref<80x128xf32, #tpu.memory_space<vmem>>) dst(%dma_wait3A_176 : memref<80x128xf32, #tpu.memory_space<vmem_shared>>)
        tpu.yield
      }) : () -> ()
    } else {
    }
    %mul3A_58 = arith.constant 8 : i32
    %mul3A_59 = arith.muli %arg1, %mul3A_58 : i32
    %add3A_60 = arith.constant 6 : i32
    %add3A_61 = arith.addi %mul3A_59, %add3A_60 : i32
    %lt3A_62 = arith.constant 125 : i32
    %lt3A_63 = arith.cmpi slt, %add3A_61, %lt3A_62 : i32
    %convert_element_type3A_64 = arith.extui %lt3A_63 : i1 to i32
    %cond3A_65 = arith.constant 0 : i32
    %cond3A_66 = arith.cmpi ne, %convert_element_type3A_64, %cond3A_65 : i32
    scf.if %cond3A_66 {
      %mul3A_160 = arith.constant 80 : i32
      %mul3A_161 = arith.muli %add3A_61, %mul3A_160 : i32
      "tpu.region"() ({
        %run_scoped3A = tpu.sem_alloc : memref<!tpu.dma_semaphore, #tpu.memory_space<semaphore_mem>>
        %dma_start3A = arith.constant 0 : i32
        %dma_start3A_162 = arith.constant 0 : i32
        %dma_start3A_163 = tpu.memref_slice %arg13[%dma_start3A, %dma_start3A_162] : memref<128x128xf32, #tpu.memory_space<vmem>> -> memref<80x128xf32, #tpu.memory_space<vmem>>
        %dma_start3A_164 = arith.constant 0 : i32
        %dma_start3A_165 = tpu.memref_slice %arg22[%mul3A_161, %dma_start3A_164] : memref<10000x128xf32, #tpu.memory_space<vmem_shared>> -> memref<80x128xf32, #tpu.memory_space<vmem_shared>>
        %dma_start3A_166 = arith.constant 0 : i32
        %dma_start3A_167 = tpu.memref_slice %arg22[%mul3A_161, %dma_start3A_166] : memref<10000x128xf32, #tpu.memory_space<vmem_shared>> -> memref<80x128xf32, #tpu.memory_space<vmem_shared>>
        %dma_start3A_168 = arith.constant 0 : i32
        %dma_start3A_169 = arith.constant 0 : i32
        %dma_start3A_170 = tpu.memref_slice %arg13[%dma_start3A_168, %dma_start3A_169] : memref<128x128xf32, #tpu.memory_space<vmem>> -> memref<80x128xf32, #tpu.memory_space<vmem>>
        tpu.enqueue_dma source(%dma_start3A_170 : memref<80x128xf32, #tpu.memory_space<vmem>>) target(%dma_start3A_167 : memref<80x128xf32, #tpu.memory_space<vmem_shared>>) target_semaphore(%run_scoped3A : memref<!tpu.dma_semaphore, #tpu.memory_space<semaphore_mem>>)
        %dma_wait3A = arith.constant 0 : i32
        %dma_wait3A_171 = arith.constant 0 : i32
        %dma_wait3A_172 = tpu.memref_slice %arg13[%dma_wait3A, %dma_wait3A_171] : memref<128x128xf32, #tpu.memory_space<vmem>> -> memref<80x128xf32, #tpu.memory_space<vmem>>
        %dma_wait3A_173 = arith.constant 0 : i32
        %dma_wait3A_174 = tpu.memref_slice %arg22[%mul3A_161, %dma_wait3A_173] : memref<10000x128xf32, #tpu.memory_space<vmem_shared>> -> memref<80x128xf32, #tpu.memory_space<vmem_shared>>
        %dma_wait3A_175 = arith.constant 0 : i32
        %dma_wait3A_176 = tpu.memref_slice %arg22[%mul3A_161, %dma_wait3A_175] : memref<10000x128xf32, #tpu.memory_space<vmem_shared>> -> memref<80x128xf32, #tpu.memory_space<vmem_shared>>
        %dma_wait3A_177 = arith.constant 0 : i32
        %dma_wait3A_178 = arith.constant 0 : i32
        %dma_wait3A_179 = tpu.memref_slice %arg13[%dma_wait3A_177, %dma_wait3A_178] : memref<128x128xf32, #tpu.memory_space<vmem>> -> memref<80x128xf32, #tpu.memory_space<vmem>>
        tpu.wait_dma2 semaphore(%run_scoped3A : memref<!tpu.dma_semaphore, #tpu.memory_space<semaphore_mem>>) src(%dma_wait3A_179 : memref<80x128xf32, #tpu.memory_space<vmem>>) dst(%dma_wait3A_176 : memref<80x128xf32, #tpu.memory_space<vmem_shared>>)
        tpu.yield
      }) : () -> ()
    } else {
    }
    %mul3A_67 = arith.constant 8 : i32
    %mul3A_68 = arith.muli %arg1, %mul3A_67 : i32
    %add3A_69 = arith.constant 7 : i32
    %add3A_70 = arith.addi %mul3A_68, %add3A_69 : i32
    %lt3A_71 = arith.constant 125 : i32
    %lt3A_72 = arith.cmpi slt, %add3A_70, %lt3A_71 : i32
    %convert_element_type3A_73 = arith.extui %lt3A_72 : i1 to i32
    %cond3A_74 = arith.constant 0 : i32
    %cond3A_75 = arith.cmpi ne, %convert_element_type3A_73, %cond3A_74 : i32
    scf.if %cond3A_75 {
      %mul3A_160 = arith.constant 80 : i32
      %mul3A_161 = arith.muli %add3A_70, %mul3A_160 : i32
      "tpu.region"() ({
        %run_scoped3A = tpu.sem_alloc : memref<!tpu.dma_semaphore, #tpu.memory_space<semaphore_mem>>
        %dma_start3A = arith.constant 0 : i32
        %dma_start3A_162 = arith.constant 0 : i32
        %dma_start3A_163 = tpu.memref_slice %arg13[%dma_start3A, %dma_start3A_162] : memref<128x128xf32, #tpu.memory_space<vmem>> -> memref<80x128xf32, #tpu.memory_space<vmem>>
        %dma_start3A_164 = arith.constant 0 : i32
        %dma_start3A_165 = tpu.memref_slice %arg22[%mul3A_161, %dma_start3A_164] : memref<10000x128xf32, #tpu.memory_space<vmem_shared>> -> memref<80x128xf32, #tpu.memory_space<vmem_shared>>
        %dma_start3A_166 = arith.constant 0 : i32
        %dma_start3A_167 = tpu.memref_slice %arg22[%mul3A_161, %dma_start3A_166] : memref<10000x128xf32, #tpu.memory_space<vmem_shared>> -> memref<80x128xf32, #tpu.memory_space<vmem_shared>>
        %dma_start3A_168 = arith.constant 0 : i32
        %dma_start3A_169 = arith.constant 0 : i32
        %dma_start3A_170 = tpu.memref_slice %arg13[%dma_start3A_168, %dma_start3A_169] : memref<128x128xf32, #tpu.memory_space<vmem>> -> memref<80x128xf32, #tpu.memory_space<vmem>>
        tpu.enqueue_dma source(%dma_start3A_170 : memref<80x128xf32, #tpu.memory_space<vmem>>) target(%dma_start3A_167 : memref<80x128xf32, #tpu.memory_space<vmem_shared>>) target_semaphore(%run_scoped3A : memref<!tpu.dma_semaphore, #tpu.memory_space<semaphore_mem>>)
        %dma_wait3A = arith.constant 0 : i32
        %dma_wait3A_171 = arith.constant 0 : i32
        %dma_wait3A_172 = tpu.memref_slice %arg13[%dma_wait3A, %dma_wait3A_171] : memref<128x128xf32, #tpu.memory_space<vmem>> -> memref<80x128xf32, #tpu.memory_space<vmem>>
        %dma_wait3A_173 = arith.constant 0 : i32
        %dma_wait3A_174 = tpu.memref_slice %arg22[%mul3A_161, %dma_wait3A_173] : memref<10000x128xf32, #tpu.memory_space<vmem_shared>> -> memref<80x128xf32, #tpu.memory_space<vmem_shared>>
        %dma_wait3A_175 = arith.constant 0 : i32
        %dma_wait3A_176 = tpu.memref_slice %arg22[%mul3A_161, %dma_wait3A_175] : memref<10000x128xf32, #tpu.memory_space<vmem_shared>> -> memref<80x128xf32, #tpu.memory_space<vmem_shared>>
        %dma_wait3A_177 = arith.constant 0 : i32
        %dma_wait3A_178 = arith.constant 0 : i32
        %dma_wait3A_179 = tpu.memref_slice %arg13[%dma_wait3A_177, %dma_wait3A_178] : memref<128x128xf32, #tpu.memory_space<vmem>> -> memref<80x128xf32, #tpu.memory_space<vmem>>
        tpu.wait_dma2 semaphore(%run_scoped3A : memref<!tpu.dma_semaphore, #tpu.memory_space<semaphore_mem>>) src(%dma_wait3A_179 : memref<80x128xf32, #tpu.memory_space<vmem>>) dst(%dma_wait3A_176 : memref<80x128xf32, #tpu.memory_space<vmem_shared>>)
        tpu.yield
      }) : () -> ()
    } else {
    }
    %barrier3A = arith.constant 0 : index
    tpu.barrier barrier_id(%barrier3A)
    %lt3A_76 = arith.constant 2500 : i32
    %lt3A_77 = arith.cmpi slt, %add3A, %lt3A_76 : i32
    %convert_element_type3A_78 = arith.extui %lt3A_77 : i1 to i32
    %cond3A_79 = arith.constant 0 : i32
    %cond3A_80 = arith.cmpi ne, %convert_element_type3A_78, %cond3A_79 : i32
    scf.if %cond3A_80 {
      %dma_start3A = arith.constant 0 : i32
      %dma_start3A_160 = arith.constant 0 : i32
      %dma_start3A_161 = tpu.memref_slice %arg3[%add3A, %dma_start3A, %dma_start3A_160] : memref<2500x1x64xi32, #tpu.memory_space<hbm>> -> memref<1x1x64xi32, #tpu.memory_space<hbm>>
      %dma_start3A_162 = tpu.memref_squeeze %dma_start3A_161 : memref<1x1x64xi32, #tpu.memory_space<hbm>> -> memref<64xi32, #tpu.memory_space<hbm>>
      %dma_start3A_163 = arith.constant 0 : i32
      %dma_start3A_164 = tpu.memref_slice %arg3[%add3A, %dma_start3A, %dma_start3A_163] : memref<2500x1x64xi32, #tpu.memory_space<hbm>> -> memref<1x1x64xi32, #tpu.memory_space<hbm>>
      %dma_start3A_165 = tpu.memref_squeeze %dma_start3A_164 : memref<1x1x64xi32, #tpu.memory_space<hbm>> -> memref<64xi32, #tpu.memory_space<hbm>>
      tpu.enqueue_dma source(%dma_start3A_165 : memref<64xi32, #tpu.memory_space<hbm>>) target(%arg8 : memref<64xi32, #tpu.memory_space<vmem>>) target_semaphore(%arg14 : memref<!tpu.dma_semaphore, #tpu.memory_space<semaphore_mem>>)
      %dma_start3A_166 = arith.constant 0 : i32
      %dma_start3A_167 = arith.constant 0 : i32
      %dma_start3A_168 = tpu.memref_slice %arg4[%add3A, %dma_start3A_166, %dma_start3A_167] : memref<2500x1x64xi32, #tpu.memory_space<hbm>> -> memref<1x1x64xi32, #tpu.memory_space<hbm>>
      %dma_start3A_169 = tpu.memref_squeeze %dma_start3A_168 : memref<1x1x64xi32, #tpu.memory_space<hbm>> -> memref<64xi32, #tpu.memory_space<hbm>>
      %dma_start3A_170 = arith.constant 0 : i32
      %dma_start3A_171 = tpu.memref_slice %arg4[%add3A, %dma_start3A_166, %dma_start3A_170] : memref<2500x1x64xi32, #tpu.memory_space<hbm>> -> memref<1x1x64xi32, #tpu.memory_space<hbm>>
      %dma_start3A_172 = tpu.memref_squeeze %dma_start3A_171 : memref<1x1x64xi32, #tpu.memory_space<hbm>> -> memref<64xi32, #tpu.memory_space<hbm>>
      tpu.enqueue_dma source(%dma_start3A_172 : memref<64xi32, #tpu.memory_space<hbm>>) target(%arg9 : memref<64xi32, #tpu.memory_space<vmem>>) target_semaphore(%arg15 : memref<!tpu.dma_semaphore, #tpu.memory_space<semaphore_mem>>)
      %mul3A_173 = arith.constant 128 : i32
      %mul3A_174 = arith.muli %add3A, %mul3A_173 : i32
      %dma_start3A_175 = tpu.memref_slice %arg5[%mul3A_174] : memref<320000xi32, #tpu.memory_space<hbm>> -> memref<128xi32, #tpu.memory_space<hbm>>
      %dma_start3A_176 = tpu.memref_slice %arg5[%mul3A_174] : memref<320000xi32, #tpu.memory_space<hbm>> -> memref<128xi32, #tpu.memory_space<hbm>>
      tpu.enqueue_dma source(%dma_start3A_176 : memref<128xi32, #tpu.memory_space<hbm>>) target(%arg10 : memref<128xi32, #tpu.memory_space<vmem>>) target_semaphore(%arg16 : memref<!tpu.dma_semaphore, #tpu.memory_space<semaphore_mem>>)
      %mul3A_177 = arith.constant 128 : i32
      %mul3A_178 = arith.muli %add3A, %mul3A_177 : i32
      %dma_start3A_179 = arith.constant 0 : i32
      %dma_start3A_180 = tpu.memref_slice %arg6[%mul3A_178, %dma_start3A_179] : memref<320000x128xf32, #tpu.memory_space<hbm>> -> memref<128x128xf32, #tpu.memory_space<hbm>>
      %dma_start3A_181 = arith.constant 0 : i32
      %dma_start3A_182 = tpu.memref_slice %arg6[%mul3A_178, %dma_start3A_181] : memref<320000x128xf32, #tpu.memory_space<hbm>> -> memref<128x128xf32, #tpu.memory_space<hbm>>
      tpu.enqueue_dma source(%dma_start3A_182 : memref<128x128xf32, #tpu.memory_space<hbm>>) target(%arg11 : memref<128x128xf32, #tpu.memory_space<vmem>>) target_semaphore(%arg17 : memref<!tpu.dma_semaphore, #tpu.memory_space<semaphore_mem>>)
    } else {
    }
    %scan3A_81 = arith.constant 0 : i32
    %scan3A_82 = arith.constant 0 : i32
    %scan3A_83 = arith.constant 80 : i32
    %scan3A_84 = arith.addi %scan3A_82, %scan3A_83 : i32
    %scan3A_85 = arith.constant 1 : i32
    scf.for %scan3A_160 = %scan3A_82 to %scan3A_84 step %scan3A_85  : i32 {
      %mul3A_161 = arith.constant 32 : i32
      %mul3A_162 = arith.muli %scan3A_160, %mul3A_161 : i32
      %add3A_163 = arith.addi %mul3A_162, %add3A : i32
      %add3A_164 = arith.constant 32 : i32
      %add3A_165 = arith.addi %add3A_163, %add3A_164 : i32
      %mul3A_166 = arith.constant 128 : i32
      %mul3A_167 = arith.muli %add3A_165, %mul3A_166 : i32
      %rem3A = arith.constant 2 : i32
      %rem3A_168 = arith.remsi %scan3A_160, %rem3A : i32
      %eq3A = arith.constant 0 : i32
      %eq3A_169 = arith.cmpi eq, %rem3A_168, %eq3A : i32
      %gt3A = arith.constant 0 : i32
      %gt3A_170 = arith.cmpi sgt, %scan3A_160, %gt3A : i32
      %sub3A = arith.constant 32 : i32
      %sub3A_171 = arith.subi %add3A_163, %sub3A : i32
      %lt3A_172 = arith.constant 2500 : i32
      %lt3A_173 = arith.cmpi slt, %sub3A_171, %lt3A_172 : i32
      %and3A = arith.andi %gt3A_170, %lt3A_173 : i1
      %convert_element_type3A_174 = arith.extui %and3A : i1 to i32
      %cond3A_175 = arith.constant 0 : i32
      %cond3A_176 = arith.cmpi ne, %convert_element_type3A_174, %cond3A_175 : i32
      scf.if %cond3A_176 {
        %dma_wait3A = arith.constant 0 : i32
        %dma_wait3A_182 = arith.constant 0 : i32
        %dma_wait3A_183 = tpu.memref_slice %arg22[%dma_wait3A, %dma_wait3A_182] : memref<10000x128xf32, #tpu.memory_space<vmem_shared>> -> memref<10000x128xf32, #tpu.memory_space<vmem_shared>>
        tpu.wait_indirect_dma semaphore(%arg21 : memref<!tpu.dma_semaphore, #tpu.memory_space<semaphore_mem>>) src(%arg13 : memref<128x128xf32, #tpu.memory_space<vmem>>) dst(%dma_wait3A_183 : memref<10000x128xf32, #tpu.memory_space<vmem_shared>>)
        %lt3A_184 = arith.constant 2500 : i32
        %lt3A_185 = arith.cmpi slt, %add3A_163, %lt3A_184 : i32
        %convert_element_type3A_186 = arith.extui %lt3A_185 : i1 to i32
        %cond3A_187 = arith.constant 0 : i32
        %cond3A_188 = arith.cmpi ne, %convert_element_type3A_186, %cond3A_187 : i32
        scf.if %cond3A_188 {
          %mul3A_189 = arith.constant 128 : i32
          %mul3A_190 = arith.muli %add3A_163, %mul3A_189 : i32
          %dma_start3A = tpu.memref_slice %arg5[%mul3A_190] : memref<320000xi32, #tpu.memory_space<hbm>> -> memref<128xi32, #tpu.memory_space<hbm>>
          %dma_start3A_191 = tpu.memref_slice %arg5[%mul3A_190] : memref<320000xi32, #tpu.memory_space<hbm>> -> memref<128xi32, #tpu.memory_space<hbm>>
          tpu.enqueue_dma source(%dma_start3A_191 : memref<128xi32, #tpu.memory_space<hbm>>) target(%arg10 : memref<128xi32, #tpu.memory_space<vmem>>) target_semaphore(%arg16 : memref<!tpu.dma_semaphore, #tpu.memory_space<semaphore_mem>>)
        } else {
        }
      } else {
      }
      %lt3A_177 = arith.constant 2500 : i32
      %lt3A_178 = arith.cmpi slt, %add3A_163, %lt3A_177 : i32
      %convert_element_type3A_179 = arith.extui %lt3A_178 : i1 to i32
      %cond3A_180 = arith.constant 0 : i32
      %cond3A_181 = arith.cmpi ne, %convert_element_type3A_179, %cond3A_180 : i32
      scf.if %cond3A_181 {
        %dma_wait3A = arith.constant 0 : i32
        %dma_wait3A_182 = arith.constant 0 : i32
        %dma_wait3A_183 = tpu.memref_slice %arg3[%add3A_163, %dma_wait3A, %dma_wait3A_182] : memref<2500x1x64xi32, #tpu.memory_space<hbm>> -> memref<1x1x64xi32, #tpu.memory_space<hbm>>
        %dma_wait3A_184 = tpu.memref_squeeze %dma_wait3A_183 : memref<1x1x64xi32, #tpu.memory_space<hbm>> -> memref<64xi32, #tpu.memory_space<hbm>>
        %dma_wait3A_185 = arith.constant 0 : i32
        %dma_wait3A_186 = tpu.memref_slice %arg3[%add3A_163, %dma_wait3A, %dma_wait3A_185] : memref<2500x1x64xi32, #tpu.memory_space<hbm>> -> memref<1x1x64xi32, #tpu.memory_space<hbm>>
        %dma_wait3A_187 = tpu.memref_squeeze %dma_wait3A_186 : memref<1x1x64xi32, #tpu.memory_space<hbm>> -> memref<64xi32, #tpu.memory_space<hbm>>
        tpu.wait_dma2 semaphore(%arg14 : memref<!tpu.dma_semaphore, #tpu.memory_space<semaphore_mem>>) src(%dma_wait3A_187 : memref<64xi32, #tpu.memory_space<hbm>>) dst(%arg8 : memref<64xi32, #tpu.memory_space<vmem>>)
        %dma_wait3A_188 = arith.constant 0 : i32
        %dma_wait3A_189 = arith.constant 0 : i32
        %dma_wait3A_190 = tpu.memref_slice %arg4[%add3A_163, %dma_wait3A_188, %dma_wait3A_189] : memref<2500x1x64xi32, #tpu.memory_space<hbm>> -> memref<1x1x64xi32, #tpu.memory_space<hbm>>
        %dma_wait3A_191 = tpu.memref_squeeze %dma_wait3A_190 : memref<1x1x64xi32, #tpu.memory_space<hbm>> -> memref<64xi32, #tpu.memory_space<hbm>>
        %dma_wait3A_192 = arith.constant 0 : i32
        %dma_wait3A_193 = tpu.memref_slice %arg4[%add3A_163, %dma_wait3A_188, %dma_wait3A_192] : memref<2500x1x64xi32, #tpu.memory_space<hbm>> -> memref<1x1x64xi32, #tpu.memory_space<hbm>>
        %dma_wait3A_194 = tpu.memref_squeeze %dma_wait3A_193 : memref<1x1x64xi32, #tpu.memory_space<hbm>> -> memref<64xi32, #tpu.memory_space<hbm>>
        tpu.wait_dma2 semaphore(%arg15 : memref<!tpu.dma_semaphore, #tpu.memory_space<semaphore_mem>>) src(%dma_wait3A_194 : memref<64xi32, #tpu.memory_space<hbm>>) dst(%arg9 : memref<64xi32, #tpu.memory_space<vmem>>)
        %dma_start3A = arith.constant 0 : i32
        %dma_start3A_195 = arith.constant 0 : i32
        %dma_start3A_196 = tpu.memref_slice %arg13[%dma_start3A, %dma_start3A_195] : memref<128x128xf32, #tpu.memory_space<vmem>> -> memref<64x128xf32, #tpu.memory_space<vmem>>
        %dma_start3A_197 = arith.constant 0 : i32
        %dma_start3A_198 = arith.constant 0 : i32
        %dma_start3A_199 = tpu.memref_slice %arg2[%dma_start3A_197, %dma_start3A_198] : memref<10000x128xf32, #tpu.memory_space<hbm>> -> memref<10000x128xf32, #tpu.memory_space<hbm>>
        tpu.enqueue_indirect_dma source(%dma_start3A_199 : memref<10000x128xf32, #tpu.memory_space<hbm>>) target(%dma_start3A_196 : memref<64x128xf32, #tpu.memory_space<vmem>>) offsets(%arg8 : memref<64xi32, #tpu.memory_space<vmem>>) semaphore(%arg19 : memref<!tpu.dma_semaphore, #tpu.memory_space<semaphore_mem>>)
        %dma_start3A_200 = arith.constant 64 : i32
        %dma_start3A_201 = arith.constant 0 : i32
        %dma_start3A_202 = tpu.memref_slice %arg13[%dma_start3A_200, %dma_start3A_201] : memref<128x128xf32, #tpu.memory_space<vmem>> -> memref<64x128xf32, #tpu.memory_space<vmem>>
        %dma_start3A_203 = arith.constant 0 : i32
        %dma_start3A_204 = arith.constant 0 : i32
        %dma_start3A_205 = tpu.memref_slice %arg2[%dma_start3A_203, %dma_start3A_204] : memref<10000x128xf32, #tpu.memory_space<hbm>> -> memref<10000x128xf32, #tpu.memory_space<hbm>>
        tpu.enqueue_indirect_dma source(%dma_start3A_205 : memref<10000x128xf32, #tpu.memory_space<hbm>>) target(%dma_start3A_202 : memref<64x128xf32, #tpu.memory_space<vmem>>) offsets(%arg9 : memref<64xi32, #tpu.memory_space<vmem>>) semaphore(%arg20 : memref<!tpu.dma_semaphore, #tpu.memory_space<semaphore_mem>>)
        %dma_wait3A_206 = arith.constant 0 : i32
        %dma_wait3A_207 = arith.constant 0 : i32
        %dma_wait3A_208 = tpu.memref_slice %arg13[%dma_wait3A_206, %dma_wait3A_207] : memref<128x128xf32, #tpu.memory_space<vmem>> -> memref<64x128xf32, #tpu.memory_space<vmem>>
        %dma_wait3A_209 = arith.constant 0 : i32
        %dma_wait3A_210 = arith.constant 0 : i32
        %dma_wait3A_211 = tpu.memref_slice %arg2[%dma_wait3A_209, %dma_wait3A_210] : memref<10000x128xf32, #tpu.memory_space<hbm>> -> memref<10000x128xf32, #tpu.memory_space<hbm>>
        tpu.wait_indirect_dma semaphore(%arg19 : memref<!tpu.dma_semaphore, #tpu.memory_space<semaphore_mem>>) src(%dma_wait3A_211 : memref<10000x128xf32, #tpu.memory_space<hbm>>) dst(%dma_wait3A_208 : memref<64x128xf32, #tpu.memory_space<vmem>>)
        %dma_wait3A_212 = arith.constant 64 : i32
        %dma_wait3A_213 = arith.constant 0 : i32
        %dma_wait3A_214 = tpu.memref_slice %arg13[%dma_wait3A_212, %dma_wait3A_213] : memref<128x128xf32, #tpu.memory_space<vmem>> -> memref<64x128xf32, #tpu.memory_space<vmem>>
        %dma_wait3A_215 = arith.constant 0 : i32
        %dma_wait3A_216 = arith.constant 0 : i32
        %dma_wait3A_217 = tpu.memref_slice %arg2[%dma_wait3A_215, %dma_wait3A_216] : memref<10000x128xf32, #tpu.memory_space<hbm>> -> memref<10000x128xf32, #tpu.memory_space<hbm>>
        tpu.wait_indirect_dma semaphore(%arg20 : memref<!tpu.dma_semaphore, #tpu.memory_space<semaphore_mem>>) src(%dma_wait3A_217 : memref<10000x128xf32, #tpu.memory_space<hbm>>) dst(%dma_wait3A_214 : memref<64x128xf32, #tpu.memory_space<vmem>>)
        %add3A_218 = arith.constant 32 : i32
        %add3A_219 = arith.addi %add3A_163, %add3A_218 : i32
        %lt3A_220 = arith.constant 2500 : i32
        %lt3A_221 = arith.cmpi slt, %add3A_219, %lt3A_220 : i32
        %convert_element_type3A_222 = arith.extui %lt3A_221 : i1 to i32
        %cond3A_223 = arith.constant 0 : i32
        %cond3A_224 = arith.cmpi ne, %convert_element_type3A_222, %cond3A_223 : i32
        scf.if %cond3A_224 {
          %add3A_239 = arith.constant 32 : i32
          %add3A_240 = arith.addi %add3A_163, %add3A_239 : i32
          %dma_start3A_241 = arith.constant 0 : i32
          %dma_start3A_242 = arith.constant 0 : i32
          %dma_start3A_243 = tpu.memref_slice %arg3[%add3A_240, %dma_start3A_241, %dma_start3A_242] : memref<2500x1x64xi32, #tpu.memory_space<hbm>> -> memref<1x1x64xi32, #tpu.memory_space<hbm>>
          %dma_start3A_244 = tpu.memref_squeeze %dma_start3A_243 : memref<1x1x64xi32, #tpu.memory_space<hbm>> -> memref<64xi32, #tpu.memory_space<hbm>>
          %dma_start3A_245 = arith.constant 0 : i32
          %dma_start3A_246 = tpu.memref_slice %arg3[%add3A_240, %dma_start3A_241, %dma_start3A_245] : memref<2500x1x64xi32, #tpu.memory_space<hbm>> -> memref<1x1x64xi32, #tpu.memory_space<hbm>>
          %dma_start3A_247 = tpu.memref_squeeze %dma_start3A_246 : memref<1x1x64xi32, #tpu.memory_space<hbm>> -> memref<64xi32, #tpu.memory_space<hbm>>
          tpu.enqueue_dma source(%dma_start3A_247 : memref<64xi32, #tpu.memory_space<hbm>>) target(%arg8 : memref<64xi32, #tpu.memory_space<vmem>>) target_semaphore(%arg14 : memref<!tpu.dma_semaphore, #tpu.memory_space<semaphore_mem>>)
          %add3A_248 = arith.constant 32 : i32
          %add3A_249 = arith.addi %add3A_163, %add3A_248 : i32
          %dma_start3A_250 = arith.constant 0 : i32
          %dma_start3A_251 = arith.constant 0 : i32
          %dma_start3A_252 = tpu.memref_slice %arg4[%add3A_249, %dma_start3A_250, %dma_start3A_251] : memref<2500x1x64xi32, #tpu.memory_space<hbm>> -> memref<1x1x64xi32, #tpu.memory_space<hbm>>
          %dma_start3A_253 = tpu.memref_squeeze %dma_start3A_252 : memref<1x1x64xi32, #tpu.memory_space<hbm>> -> memref<64xi32, #tpu.memory_space<hbm>>
          %dma_start3A_254 = arith.constant 0 : i32
          %dma_start3A_255 = tpu.memref_slice %arg4[%add3A_249, %dma_start3A_250, %dma_start3A_254] : memref<2500x1x64xi32, #tpu.memory_space<hbm>> -> memref<1x1x64xi32, #tpu.memory_space<hbm>>
          %dma_start3A_256 = tpu.memref_squeeze %dma_start3A_255 : memref<1x1x64xi32, #tpu.memory_space<hbm>> -> memref<64xi32, #tpu.memory_space<hbm>>
          tpu.enqueue_dma source(%dma_start3A_256 : memref<64xi32, #tpu.memory_space<hbm>>) target(%arg9 : memref<64xi32, #tpu.memory_space<vmem>>) target_semaphore(%arg15 : memref<!tpu.dma_semaphore, #tpu.memory_space<semaphore_mem>>)
        } else {
        }
        %convert_element_type3A_225 = arith.extui %eq3A_169 : i1 to i32
        %cond3A_226 = arith.constant 0 : i32
        %cond3A_227 = arith.cmpi ne, %convert_element_type3A_225, %cond3A_226 : i32
        scf.if %cond3A_227 {
          %mul3A_239 = arith.constant 128 : i32
          %mul3A_240 = arith.muli %add3A_163, %mul3A_239 : i32
          %dma_wait3A_241 = arith.constant 0 : i32
          %dma_wait3A_242 = tpu.memref_slice %arg6[%mul3A_240, %dma_wait3A_241] : memref<320000x128xf32, #tpu.memory_space<hbm>> -> memref<128x128xf32, #tpu.memory_space<hbm>>
          %dma_wait3A_243 = arith.constant 0 : i32
          %dma_wait3A_244 = tpu.memref_slice %arg6[%mul3A_240, %dma_wait3A_243] : memref<320000x128xf32, #tpu.memory_space<hbm>> -> memref<128x128xf32, #tpu.memory_space<hbm>>
          tpu.wait_dma2 semaphore(%arg17 : memref<!tpu.dma_semaphore, #tpu.memory_space<semaphore_mem>>) src(%dma_wait3A_244 : memref<128x128xf32, #tpu.memory_space<hbm>>) dst(%arg11 : memref<128x128xf32, #tpu.memory_space<vmem>>)
          %add3A_245 = arith.constant 32 : i32
          %add3A_246 = arith.addi %add3A_163, %add3A_245 : i32
          %lt3A_247 = arith.constant 2500 : i32
          %lt3A_248 = arith.cmpi slt, %add3A_246, %lt3A_247 : i32
          %convert_element_type3A_249 = arith.extui %lt3A_248 : i1 to i32
          %cond3A_250 = arith.constant 0 : i32
          %cond3A_251 = arith.cmpi ne, %convert_element_type3A_249, %cond3A_250 : i32
          scf.if %cond3A_251 {
            %dma_start3A_258 = arith.constant 0 : i32
            %dma_start3A_259 = tpu.memref_slice %arg6[%mul3A_167, %dma_start3A_258] : memref<320000x128xf32, #tpu.memory_space<hbm>> -> memref<128x128xf32, #tpu.memory_space<hbm>>
            %dma_start3A_260 = arith.constant 0 : i32
            %dma_start3A_261 = tpu.memref_slice %arg6[%mul3A_167, %dma_start3A_260] : memref<320000x128xf32, #tpu.memory_space<hbm>> -> memref<128x128xf32, #tpu.memory_space<hbm>>
            tpu.enqueue_dma source(%dma_start3A_261 : memref<128x128xf32, #tpu.memory_space<hbm>>) target(%arg12 : memref<128x128xf32, #tpu.memory_space<vmem>>) target_semaphore(%arg18 : memref<!tpu.dma_semaphore, #tpu.memory_space<semaphore_mem>>)
          } else {
          }
          %scan3A_252 = arith.constant 0 : i32
          %scan3A_253 = arith.constant 0 : i32
          %scan3A_254 = arith.constant 128 : i32
          %scan3A_255 = arith.addi %scan3A_253, %scan3A_254 : i32
          %scan3A_256 = arith.constant 1 : i32
          scf.for %scan3A_258 = %scan3A_253 to %scan3A_255 step %scan3A_256  : i32 {
            %get3A = arith.index_cast %scan3A_258 : i32 to index
            %get3A_259 = arith.constant 0 : index
            %get3A_260 = tpu.vector_load %arg13[%get3A, %get3A_259] {strides = array<i32>} : memref<128x128xf32, #tpu.memory_space<vmem>>, vector<1x16xf32>,
            %get3A_261 = vector.shape_cast %get3A_260 : vector<1x16xf32> to vector<16xf32>
            %get3A_262 = arith.index_cast %scan3A_258 : i32 to index
            %get3A_263 = arith.constant 0 : index
            %get3A_264 = tpu.vector_load %arg11[%get3A_262, %get3A_263] {strides = array<i32>} : memref<128x128xf32, #tpu.memory_space<vmem>>, vector<1x16xf32>,
            %get3A_265 = vector.shape_cast %get3A_264 : vector<1x16xf32> to vector<16xf32>
            %add3A_266 = arith.addf %get3A_261, %get3A_265 : vector<16xf32>
            %max3A = arith.constant 0.000000e+00 : f32
            %max3A_267 = vector.broadcast %max3A : f32 to vector<16xf32>
            %max3A_268 = arith.maximumf %add3A_266, %max3A_267 : vector<16xf32>
            %swap3A = arith.index_cast %scan3A_258 : i32 to index
            %swap3A_269 = arith.constant 0 : index
            %swap3A_270 = tpu.vector_load %arg13[%swap3A, %swap3A_269] {strides = array<i32>} : memref<128x128xf32, #tpu.memory_space<vmem>>, vector<1x16xf32>,
            %swap3A_271 = vector.shape_cast %swap3A_270 : vector<1x16xf32> to vector<16xf32>
            %swap3A_272 = vector.shape_cast %max3A_268 : vector<16xf32> to vector<1x16xf32>
            tpu.vector_store %arg13[%swap3A, %swap3A_269], %swap3A_272 {strides = array<i32>} : memref<128x128xf32, #tpu.memory_space<vmem>>, vector<1x16xf32>,
            %get3A_273 = arith.index_cast %scan3A_258 : i32 to index
            %get3A_274 = arith.constant 16 : index
            %get3A_275 = tpu.vector_load %arg13[%get3A_273, %get3A_274] {strides = array<i32>} : memref<128x128xf32, #tpu.memory_space<vmem>>, vector<1x16xf32>,
            %get3A_276 = vector.shape_cast %get3A_275 : vector<1x16xf32> to vector<16xf32>
            %get3A_277 = arith.index_cast %scan3A_258 : i32 to index
            %get3A_278 = arith.constant 16 : index
            %get3A_279 = tpu.vector_load %arg11[%get3A_277, %get3A_278] {strides = array<i32>} : memref<128x128xf32, #tpu.memory_space<vmem>>, vector<1x16xf32>,
            %get3A_280 = vector.shape_cast %get3A_279 : vector<1x16xf32> to vector<16xf32>
            %add3A_281 = arith.addf %get3A_276, %get3A_280 : vector<16xf32>
            %max3A_282 = arith.constant 0.000000e+00 : f32
            %max3A_283 = vector.broadcast %max3A_282 : f32 to vector<16xf32>
            %max3A_284 = arith.maximumf %add3A_281, %max3A_283 : vector<16xf32>
            %swap3A_285 = arith.index_cast %scan3A_258 : i32 to index
            %swap3A_286 = arith.constant 16 : index
            %swap3A_287 = tpu.vector_load %arg13[%swap3A_285, %swap3A_286] {strides = array<i32>} : memref<128x128xf32, #tpu.memory_space<vmem>>, vector<1x16xf32>,
            %swap3A_288 = vector.shape_cast %swap3A_287 : vector<1x16xf32> to vector<16xf32>
            %swap3A_289 = vector.shape_cast %max3A_284 : vector<16xf32> to vector<1x16xf32>
            tpu.vector_store %arg13[%swap3A_285, %swap3A_286], %swap3A_289 {strides = array<i32>} : memref<128x128xf32, #tpu.memory_space<vmem>>, vector<1x16xf32>,
            %get3A_290 = arith.index_cast %scan3A_258 : i32 to index
            %get3A_291 = arith.constant 32 : index
            %get3A_292 = tpu.vector_load %arg13[%get3A_290, %get3A_291] {strides = array<i32>} : memref<128x128xf32, #tpu.memory_space<vmem>>, vector<1x16xf32>,
            %get3A_293 = vector.shape_cast %get3A_292 : vector<1x16xf32> to vector<16xf32>
            %get3A_294 = arith.index_cast %scan3A_258 : i32 to index
            %get3A_295 = arith.constant 32 : index
            %get3A_296 = tpu.vector_load %arg11[%get3A_294, %get3A_295] {strides = array<i32>} : memref<128x128xf32, #tpu.memory_space<vmem>>, vector<1x16xf32>,
            %get3A_297 = vector.shape_cast %get3A_296 : vector<1x16xf32> to vector<16xf32>
            %add3A_298 = arith.addf %get3A_293, %get3A_297 : vector<16xf32>
            %max3A_299 = arith.constant 0.000000e+00 : f32
            %max3A_300 = vector.broadcast %max3A_299 : f32 to vector<16xf32>
            %max3A_301 = arith.maximumf %add3A_298, %max3A_300 : vector<16xf32>
            %swap3A_302 = arith.index_cast %scan3A_258 : i32 to index
            %swap3A_303 = arith.constant 32 : index
            %swap3A_304 = tpu.vector_load %arg13[%swap3A_302, %swap3A_303] {strides = array<i32>} : memref<128x128xf32, #tpu.memory_space<vmem>>, vector<1x16xf32>,
            %swap3A_305 = vector.shape_cast %swap3A_304 : vector<1x16xf32> to vector<16xf32>
            %swap3A_306 = vector.shape_cast %max3A_301 : vector<16xf32> to vector<1x16xf32>
            tpu.vector_store %arg13[%swap3A_302, %swap3A_303], %swap3A_306 {strides = array<i32>} : memref<128x128xf32, #tpu.memory_space<vmem>>, vector<1x16xf32>,
            %get3A_307 = arith.index_cast %scan3A_258 : i32 to index
            %get3A_308 = arith.constant 48 : index
            %get3A_309 = tpu.vector_load %arg13[%get3A_307, %get3A_308] {strides = array<i32>} : memref<128x128xf32, #tpu.memory_space<vmem>>, vector<1x16xf32>,
            %get3A_310 = vector.shape_cast %get3A_309 : vector<1x16xf32> to vector<16xf32>
            %get3A_311 = arith.index_cast %scan3A_258 : i32 to index
            %get3A_312 = arith.constant 48 : index
            %get3A_313 = tpu.vector_load %arg11[%get3A_311, %get3A_312] {strides = array<i32>} : memref<128x128xf32, #tpu.memory_space<vmem>>, vector<1x16xf32>,
            %get3A_314 = vector.shape_cast %get3A_313 : vector<1x16xf32> to vector<16xf32>
            %add3A_315 = arith.addf %get3A_310, %get3A_314 : vector<16xf32>
            %max3A_316 = arith.constant 0.000000e+00 : f32
            %max3A_317 = vector.broadcast %max3A_316 : f32 to vector<16xf32>
            %max3A_318 = arith.maximumf %add3A_315, %max3A_317 : vector<16xf32>
            %swap3A_319 = arith.index_cast %scan3A_258 : i32 to index
            %swap3A_320 = arith.constant 48 : index
            %swap3A_321 = tpu.vector_load %arg13[%swap3A_319, %swap3A_320] {strides = array<i32>} : memref<128x128xf32, #tpu.memory_space<vmem>>, vector<1x16xf32>,
            %swap3A_322 = vector.shape_cast %swap3A_321 : vector<1x16xf32> to vector<16xf32>
            %swap3A_323 = vector.shape_cast %max3A_318 : vector<16xf32> to vector<1x16xf32>
            tpu.vector_store %arg13[%swap3A_319, %swap3A_320], %swap3A_323 {strides = array<i32>} : memref<128x128xf32, #tpu.memory_space<vmem>>, vector<1x16xf32>,
            %get3A_324 = arith.index_cast %scan3A_258 : i32 to index
            %get3A_325 = arith.constant 64 : index
            %get3A_326 = tpu.vector_load %arg13[%get3A_324, %get3A_325] {strides = array<i32>} : memref<128x128xf32, #tpu.memory_space<vmem>>, vector<1x16xf32>,
            %get3A_327 = vector.shape_cast %get3A_326 : vector<1x16xf32> to vector<16xf32>
            %get3A_328 = arith.index_cast %scan3A_258 : i32 to index
            %get3A_329 = arith.constant 64 : index
            %get3A_330 = tpu.vector_load %arg11[%get3A_328, %get3A_329] {strides = array<i32>} : memref<128x128xf32, #tpu.memory_space<vmem>>, vector<1x16xf32>,
            %get3A_331 = vector.shape_cast %get3A_330 : vector<1x16xf32> to vector<16xf32>
            %add3A_332 = arith.addf %get3A_327, %get3A_331 : vector<16xf32>
            %max3A_333 = arith.constant 0.000000e+00 : f32
            %max3A_334 = vector.broadcast %max3A_333 : f32 to vector<16xf32>
            %max3A_335 = arith.maximumf %add3A_332, %max3A_334 : vector<16xf32>
            %swap3A_336 = arith.index_cast %scan3A_258 : i32 to index
            %swap3A_337 = arith.constant 64 : index
            %swap3A_338 = tpu.vector_load %arg13[%swap3A_336, %swap3A_337] {strides = array<i32>} : memref<128x128xf32, #tpu.memory_space<vmem>>, vector<1x16xf32>,
            %swap3A_339 = vector.shape_cast %swap3A_338 : vector<1x16xf32> to vector<16xf32>
            %swap3A_340 = vector.shape_cast %max3A_335 : vector<16xf32> to vector<1x16xf32>
            tpu.vector_store %arg13[%swap3A_336, %swap3A_337], %swap3A_340 {strides = array<i32>} : memref<128x128xf32, #tpu.memory_space<vmem>>, vector<1x16xf32>,
            %get3A_341 = arith.index_cast %scan3A_258 : i32 to index
            %get3A_342 = arith.constant 80 : index
            %get3A_343 = tpu.vector_load %arg13[%get3A_341, %get3A_342] {strides = array<i32>} : memref<128x128xf32, #tpu.memory_space<vmem>>, vector<1x16xf32>,
            %get3A_344 = vector.shape_cast %get3A_343 : vector<1x16xf32> to vector<16xf32>
            %get3A_345 = arith.index_cast %scan3A_258 : i32 to index
            %get3A_346 = arith.constant 80 : index
            %get3A_347 = tpu.vector_load %arg11[%get3A_345, %get3A_346] {strides = array<i32>} : memref<128x128xf32, #tpu.memory_space<vmem>>, vector<1x16xf32>,
            %get3A_348 = vector.shape_cast %get3A_347 : vector<1x16xf32> to vector<16xf32>
            %add3A_349 = arith.addf %get3A_344, %get3A_348 : vector<16xf32>
            %max3A_350 = arith.constant 0.000000e+00 : f32
            %max3A_351 = vector.broadcast %max3A_350 : f32 to vector<16xf32>
            %max3A_352 = arith.maximumf %add3A_349, %max3A_351 : vector<16xf32>
            %swap3A_353 = arith.index_cast %scan3A_258 : i32 to index
            %swap3A_354 = arith.constant 80 : index
            %swap3A_355 = tpu.vector_load %arg13[%swap3A_353, %swap3A_354] {strides = array<i32>} : memref<128x128xf32, #tpu.memory_space<vmem>>, vector<1x16xf32>,
            %swap3A_356 = vector.shape_cast %swap3A_355 : vector<1x16xf32> to vector<16xf32>
            %swap3A_357 = vector.shape_cast %max3A_352 : vector<16xf32> to vector<1x16xf32>
            tpu.vector_store %arg13[%swap3A_353, %swap3A_354], %swap3A_357 {strides = array<i32>} : memref<128x128xf32, #tpu.memory_space<vmem>>, vector<1x16xf32>,
            %get3A_358 = arith.index_cast %scan3A_258 : i32 to index
            %get3A_359 = arith.constant 96 : index
            %get3A_360 = tpu.vector_load %arg13[%get3A_358, %get3A_359] {strides = array<i32>} : memref<128x128xf32, #tpu.memory_space<vmem>>, vector<1x16xf32>,
            %get3A_361 = vector.shape_cast %get3A_360 : vector<1x16xf32> to vector<16xf32>
            %get3A_362 = arith.index_cast %scan3A_258 : i32 to index
            %get3A_363 = arith.constant 96 : index
            %get3A_364 = tpu.vector_load %arg11[%get3A_362, %get3A_363] {strides = array<i32>} : memref<128x128xf32, #tpu.memory_space<vmem>>, vector<1x16xf32>,
            %get3A_365 = vector.shape_cast %get3A_364 : vector<1x16xf32> to vector<16xf32>
            %add3A_366 = arith.addf %get3A_361, %get3A_365 : vector<16xf32>
            %max3A_367 = arith.constant 0.000000e+00 : f32
            %max3A_368 = vector.broadcast %max3A_367 : f32 to vector<16xf32>
            %max3A_369 = arith.maximumf %add3A_366, %max3A_368 : vector<16xf32>
            %swap3A_370 = arith.index_cast %scan3A_258 : i32 to index
            %swap3A_371 = arith.constant 96 : index
            %swap3A_372 = tpu.vector_load %arg13[%swap3A_370, %swap3A_371] {strides = array<i32>} : memref<128x128xf32, #tpu.memory_space<vmem>>, vector<1x16xf32>,
            %swap3A_373 = vector.shape_cast %swap3A_372 : vector<1x16xf32> to vector<16xf32>
            %swap3A_374 = vector.shape_cast %max3A_369 : vector<16xf32> to vector<1x16xf32>
            tpu.vector_store %arg13[%swap3A_370, %swap3A_371], %swap3A_374 {strides = array<i32>} : memref<128x128xf32, #tpu.memory_space<vmem>>, vector<1x16xf32>,
            %get3A_375 = arith.index_cast %scan3A_258 : i32 to index
            %get3A_376 = arith.constant 112 : index
            %get3A_377 = tpu.vector_load %arg13[%get3A_375, %get3A_376] {strides = array<i32>} : memref<128x128xf32, #tpu.memory_space<vmem>>, vector<1x16xf32>,
            %get3A_378 = vector.shape_cast %get3A_377 : vector<1x16xf32> to vector<16xf32>
            %get3A_379 = arith.index_cast %scan3A_258 : i32 to index
            %get3A_380 = arith.constant 112 : index
            %get3A_381 = tpu.vector_load %arg11[%get3A_379, %get3A_380] {strides = array<i32>} : memref<128x128xf32, #tpu.memory_space<vmem>>, vector<1x16xf32>,
            %get3A_382 = vector.shape_cast %get3A_381 : vector<1x16xf32> to vector<16xf32>
            %add3A_383 = arith.addf %get3A_378, %get3A_382 : vector<16xf32>
            %max3A_384 = arith.constant 0.000000e+00 : f32
            %max3A_385 = vector.broadcast %max3A_384 : f32 to vector<16xf32>
            %max3A_386 = arith.maximumf %add3A_383, %max3A_385 : vector<16xf32>
            %swap3A_387 = arith.index_cast %scan3A_258 : i32 to index
            %swap3A_388 = arith.constant 112 : index
            %swap3A_389 = tpu.vector_load %arg13[%swap3A_387, %swap3A_388] {strides = array<i32>} : memref<128x128xf32, #tpu.memory_space<vmem>>, vector<1x16xf32>,
            %swap3A_390 = vector.shape_cast %swap3A_389 : vector<1x16xf32> to vector<16xf32>
            %swap3A_391 = vector.shape_cast %max3A_386 : vector<16xf32> to vector<1x16xf32>
            tpu.vector_store %arg13[%swap3A_387, %swap3A_388], %swap3A_391 {strides = array<i32>} : memref<128x128xf32, #tpu.memory_space<vmem>>, vector<1x16xf32>,
          }
          %scan3A_257 = arith.constant 128 : i32
        } else {
        }
        %not3A = arith.constant true
        %not3A_228 = arith.xori %eq3A_169, %not3A : i1
        %convert_element_type3A_229 = arith.extui %not3A_228 : i1 to i32
        %cond3A_230 = arith.constant 0 : i32
        %cond3A_231 = arith.cmpi ne, %convert_element_type3A_229, %cond3A_230 : i32
        scf.if %cond3A_231 {
          %mul3A_239 = arith.constant 128 : i32
          %mul3A_240 = arith.muli %add3A_163, %mul3A_239 : i32
          %dma_wait3A_241 = arith.constant 0 : i32
          %dma_wait3A_242 = tpu.memref_slice %arg6[%mul3A_240, %dma_wait3A_241] : memref<320000x128xf32, #tpu.memory_space<hbm>> -> memref<128x128xf32, #tpu.memory_space<hbm>>
          %dma_wait3A_243 = arith.constant 0 : i32
          %dma_wait3A_244 = tpu.memref_slice %arg6[%mul3A_240, %dma_wait3A_243] : memref<320000x128xf32, #tpu.memory_space<hbm>> -> memref<128x128xf32, #tpu.memory_space<hbm>>
          tpu.wait_dma2 semaphore(%arg18 : memref<!tpu.dma_semaphore, #tpu.memory_space<semaphore_mem>>) src(%dma_wait3A_244 : memref<128x128xf32, #tpu.memory_space<hbm>>) dst(%arg12 : memref<128x128xf32, #tpu.memory_space<vmem>>)
          %add3A_245 = arith.constant 32 : i32
          %add3A_246 = arith.addi %add3A_163, %add3A_245 : i32
          %lt3A_247 = arith.constant 2500 : i32
          %lt3A_248 = arith.cmpi slt, %add3A_246, %lt3A_247 : i32
          %convert_element_type3A_249 = arith.extui %lt3A_248 : i1 to i32
          %cond3A_250 = arith.constant 0 : i32
          %cond3A_251 = arith.cmpi ne, %convert_element_type3A_249, %cond3A_250 : i32
          scf.if %cond3A_251 {
            %dma_start3A_258 = arith.constant 0 : i32
            %dma_start3A_259 = tpu.memref_slice %arg6[%mul3A_167, %dma_start3A_258] : memref<320000x128xf32, #tpu.memory_space<hbm>> -> memref<128x128xf32, #tpu.memory_space<hbm>>
            %dma_start3A_260 = arith.constant 0 : i32
            %dma_start3A_261 = tpu.memref_slice %arg6[%mul3A_167, %dma_start3A_260] : memref<320000x128xf32, #tpu.memory_space<hbm>> -> memref<128x128xf32, #tpu.memory_space<hbm>>
            tpu.enqueue_dma source(%dma_start3A_261 : memref<128x128xf32, #tpu.memory_space<hbm>>) target(%arg11 : memref<128x128xf32, #tpu.memory_space<vmem>>) target_semaphore(%arg17 : memref<!tpu.dma_semaphore, #tpu.memory_space<semaphore_mem>>)
          } else {
          }
          %scan3A_252 = arith.constant 0 : i32
          %scan3A_253 = arith.constant 0 : i32
          %scan3A_254 = arith.constant 128 : i32
          %scan3A_255 = arith.addi %scan3A_253, %scan3A_254 : i32
          %scan3A_256 = arith.constant 1 : i32
          scf.for %scan3A_258 = %scan3A_253 to %scan3A_255 step %scan3A_256  : i32 {
            %get3A = arith.index_cast %scan3A_258 : i32 to index
            %get3A_259 = arith.constant 0 : index
            %get3A_260 = tpu.vector_load %arg13[%get3A, %get3A_259] {strides = array<i32>} : memref<128x128xf32, #tpu.memory_space<vmem>>, vector<1x16xf32>,
            %get3A_261 = vector.shape_cast %get3A_260 : vector<1x16xf32> to vector<16xf32>
            %get3A_262 = arith.index_cast %scan3A_258 : i32 to index
            %get3A_263 = arith.constant 0 : index
            %get3A_264 = tpu.vector_load %arg12[%get3A_262, %get3A_263] {strides = array<i32>} : memref<128x128xf32, #tpu.memory_space<vmem>>, vector<1x16xf32>,
            %get3A_265 = vector.shape_cast %get3A_264 : vector<1x16xf32> to vector<16xf32>
            %add3A_266 = arith.addf %get3A_261, %get3A_265 : vector<16xf32>
            %max3A = arith.constant 0.000000e+00 : f32
            %max3A_267 = vector.broadcast %max3A : f32 to vector<16xf32>
            %max3A_268 = arith.maximumf %add3A_266, %max3A_267 : vector<16xf32>
            %swap3A = arith.index_cast %scan3A_258 : i32 to index
            %swap3A_269 = arith.constant 0 : index
            %swap3A_270 = tpu.vector_load %arg13[%swap3A, %swap3A_269] {strides = array<i32>} : memref<128x128xf32, #tpu.memory_space<vmem>>, vector<1x16xf32>,
            %swap3A_271 = vector.shape_cast %swap3A_270 : vector<1x16xf32> to vector<16xf32>
            %swap3A_272 = vector.shape_cast %max3A_268 : vector<16xf32> to vector<1x16xf32>
            tpu.vector_store %arg13[%swap3A, %swap3A_269], %swap3A_272 {strides = array<i32>} : memref<128x128xf32, #tpu.memory_space<vmem>>, vector<1x16xf32>,
            %get3A_273 = arith.index_cast %scan3A_258 : i32 to index
            %get3A_274 = arith.constant 16 : index
            %get3A_275 = tpu.vector_load %arg13[%get3A_273, %get3A_274] {strides = array<i32>} : memref<128x128xf32, #tpu.memory_space<vmem>>, vector<1x16xf32>,
            %get3A_276 = vector.shape_cast %get3A_275 : vector<1x16xf32> to vector<16xf32>
            %get3A_277 = arith.index_cast %scan3A_258 : i32 to index
            %get3A_278 = arith.constant 16 : index
            %get3A_279 = tpu.vector_load %arg12[%get3A_277, %get3A_278] {strides = array<i32>} : memref<128x128xf32, #tpu.memory_space<vmem>>, vector<1x16xf32>,
            %get3A_280 = vector.shape_cast %get3A_279 : vector<1x16xf32> to vector<16xf32>
            %add3A_281 = arith.addf %get3A_276, %get3A_280 : vector<16xf32>
            %max3A_282 = arith.constant 0.000000e+00 : f32
            %max3A_283 = vector.broadcast %max3A_282 : f32 to vector<16xf32>
            %max3A_284 = arith.maximumf %add3A_281, %max3A_283 : vector<16xf32>
            %swap3A_285 = arith.index_cast %scan3A_258 : i32 to index
            %swap3A_286 = arith.constant 16 : index
            %swap3A_287 = tpu.vector_load %arg13[%swap3A_285, %swap3A_286] {strides = array<i32>} : memref<128x128xf32, #tpu.memory_space<vmem>>, vector<1x16xf32>,
            %swap3A_288 = vector.shape_cast %swap3A_287 : vector<1x16xf32> to vector<16xf32>
            %swap3A_289 = vector.shape_cast %max3A_284 : vector<16xf32> to vector<1x16xf32>
            tpu.vector_store %arg13[%swap3A_285, %swap3A_286], %swap3A_289 {strides = array<i32>} : memref<128x128xf32, #tpu.memory_space<vmem>>, vector<1x16xf32>,
            %get3A_290 = arith.index_cast %scan3A_258 : i32 to index
            %get3A_291 = arith.constant 32 : index
            %get3A_292 = tpu.vector_load %arg13[%get3A_290, %get3A_291] {strides = array<i32>} : memref<128x128xf32, #tpu.memory_space<vmem>>, vector<1x16xf32>,
            %get3A_293 = vector.shape_cast %get3A_292 : vector<1x16xf32> to vector<16xf32>
            %get3A_294 = arith.index_cast %scan3A_258 : i32 to index
            %get3A_295 = arith.constant 32 : index
            %get3A_296 = tpu.vector_load %arg12[%get3A_294, %get3A_295] {strides = array<i32>} : memref<128x128xf32, #tpu.memory_space<vmem>>, vector<1x16xf32>,
            %get3A_297 = vector.shape_cast %get3A_296 : vector<1x16xf32> to vector<16xf32>
            %add3A_298 = arith.addf %get3A_293, %get3A_297 : vector<16xf32>
            %max3A_299 = arith.constant 0.000000e+00 : f32
            %max3A_300 = vector.broadcast %max3A_299 : f32 to vector<16xf32>
            %max3A_301 = arith.maximumf %add3A_298, %max3A_300 : vector<16xf32>
            %swap3A_302 = arith.index_cast %scan3A_258 : i32 to index
            %swap3A_303 = arith.constant 32 : index
            %swap3A_304 = tpu.vector_load %arg13[%swap3A_302, %swap3A_303] {strides = array<i32>} : memref<128x128xf32, #tpu.memory_space<vmem>>, vector<1x16xf32>,
            %swap3A_305 = vector.shape_cast %swap3A_304 : vector<1x16xf32> to vector<16xf32>
            %swap3A_306 = vector.shape_cast %max3A_301 : vector<16xf32> to vector<1x16xf32>
            tpu.vector_store %arg13[%swap3A_302, %swap3A_303], %swap3A_306 {strides = array<i32>} : memref<128x128xf32, #tpu.memory_space<vmem>>, vector<1x16xf32>,
            %get3A_307 = arith.index_cast %scan3A_258 : i32 to index
            %get3A_308 = arith.constant 48 : index
            %get3A_309 = tpu.vector_load %arg13[%get3A_307, %get3A_308] {strides = array<i32>} : memref<128x128xf32, #tpu.memory_space<vmem>>, vector<1x16xf32>,
            %get3A_310 = vector.shape_cast %get3A_309 : vector<1x16xf32> to vector<16xf32>
            %get3A_311 = arith.index_cast %scan3A_258 : i32 to index
            %get3A_312 = arith.constant 48 : index
            %get3A_313 = tpu.vector_load %arg12[%get3A_311, %get3A_312] {strides = array<i32>} : memref<128x128xf32, #tpu.memory_space<vmem>>, vector<1x16xf32>,
            %get3A_314 = vector.shape_cast %get3A_313 : vector<1x16xf32> to vector<16xf32>
            %add3A_315 = arith.addf %get3A_310, %get3A_314 : vector<16xf32>
            %max3A_316 = arith.constant 0.000000e+00 : f32
            %max3A_317 = vector.broadcast %max3A_316 : f32 to vector<16xf32>
            %max3A_318 = arith.maximumf %add3A_315, %max3A_317 : vector<16xf32>
            %swap3A_319 = arith.index_cast %scan3A_258 : i32 to index
            %swap3A_320 = arith.constant 48 : index
            %swap3A_321 = tpu.vector_load %arg13[%swap3A_319, %swap3A_320] {strides = array<i32>} : memref<128x128xf32, #tpu.memory_space<vmem>>, vector<1x16xf32>,
            %swap3A_322 = vector.shape_cast %swap3A_321 : vector<1x16xf32> to vector<16xf32>
            %swap3A_323 = vector.shape_cast %max3A_318 : vector<16xf32> to vector<1x16xf32>
            tpu.vector_store %arg13[%swap3A_319, %swap3A_320], %swap3A_323 {strides = array<i32>} : memref<128x128xf32, #tpu.memory_space<vmem>>, vector<1x16xf32>,
            %get3A_324 = arith.index_cast %scan3A_258 : i32 to index
            %get3A_325 = arith.constant 64 : index
            %get3A_326 = tpu.vector_load %arg13[%get3A_324, %get3A_325] {strides = array<i32>} : memref<128x128xf32, #tpu.memory_space<vmem>>, vector<1x16xf32>,
            %get3A_327 = vector.shape_cast %get3A_326 : vector<1x16xf32> to vector<16xf32>
            %get3A_328 = arith.index_cast %scan3A_258 : i32 to index
            %get3A_329 = arith.constant 64 : index
            %get3A_330 = tpu.vector_load %arg12[%get3A_328, %get3A_329] {strides = array<i32>} : memref<128x128xf32, #tpu.memory_space<vmem>>, vector<1x16xf32>,
            %get3A_331 = vector.shape_cast %get3A_330 : vector<1x16xf32> to vector<16xf32>
            %add3A_332 = arith.addf %get3A_327, %get3A_331 : vector<16xf32>
            %max3A_333 = arith.constant 0.000000e+00 : f32
            %max3A_334 = vector.broadcast %max3A_333 : f32 to vector<16xf32>
            %max3A_335 = arith.maximumf %add3A_332, %max3A_334 : vector<16xf32>
            %swap3A_336 = arith.index_cast %scan3A_258 : i32 to index
            %swap3A_337 = arith.constant 64 : index
            %swap3A_338 = tpu.vector_load %arg13[%swap3A_336, %swap3A_337] {strides = array<i32>} : memref<128x128xf32, #tpu.memory_space<vmem>>, vector<1x16xf32>,
            %swap3A_339 = vector.shape_cast %swap3A_338 : vector<1x16xf32> to vector<16xf32>
            %swap3A_340 = vector.shape_cast %max3A_335 : vector<16xf32> to vector<1x16xf32>
            tpu.vector_store %arg13[%swap3A_336, %swap3A_337], %swap3A_340 {strides = array<i32>} : memref<128x128xf32, #tpu.memory_space<vmem>>, vector<1x16xf32>,
            %get3A_341 = arith.index_cast %scan3A_258 : i32 to index
            %get3A_342 = arith.constant 80 : index
            %get3A_343 = tpu.vector_load %arg13[%get3A_341, %get3A_342] {strides = array<i32>} : memref<128x128xf32, #tpu.memory_space<vmem>>, vector<1x16xf32>,
            %get3A_344 = vector.shape_cast %get3A_343 : vector<1x16xf32> to vector<16xf32>
            %get3A_345 = arith.index_cast %scan3A_258 : i32 to index
            %get3A_346 = arith.constant 80 : index
            %get3A_347 = tpu.vector_load %arg12[%get3A_345, %get3A_346] {strides = array<i32>} : memref<128x128xf32, #tpu.memory_space<vmem>>, vector<1x16xf32>,
            %get3A_348 = vector.shape_cast %get3A_347 : vector<1x16xf32> to vector<16xf32>
            %add3A_349 = arith.addf %get3A_344, %get3A_348 : vector<16xf32>
            %max3A_350 = arith.constant 0.000000e+00 : f32
            %max3A_351 = vector.broadcast %max3A_350 : f32 to vector<16xf32>
            %max3A_352 = arith.maximumf %add3A_349, %max3A_351 : vector<16xf32>
            %swap3A_353 = arith.index_cast %scan3A_258 : i32 to index
            %swap3A_354 = arith.constant 80 : index
            %swap3A_355 = tpu.vector_load %arg13[%swap3A_353, %swap3A_354] {strides = array<i32>} : memref<128x128xf32, #tpu.memory_space<vmem>>, vector<1x16xf32>,
            %swap3A_356 = vector.shape_cast %swap3A_355 : vector<1x16xf32> to vector<16xf32>
            %swap3A_357 = vector.shape_cast %max3A_352 : vector<16xf32> to vector<1x16xf32>
            tpu.vector_store %arg13[%swap3A_353, %swap3A_354], %swap3A_357 {strides = array<i32>} : memref<128x128xf32, #tpu.memory_space<vmem>>, vector<1x16xf32>,
            %get3A_358 = arith.index_cast %scan3A_258 : i32 to index
            %get3A_359 = arith.constant 96 : index
            %get3A_360 = tpu.vector_load %arg13[%get3A_358, %get3A_359] {strides = array<i32>} : memref<128x128xf32, #tpu.memory_space<vmem>>, vector<1x16xf32>,
            %get3A_361 = vector.shape_cast %get3A_360 : vector<1x16xf32> to vector<16xf32>
            %get3A_362 = arith.index_cast %scan3A_258 : i32 to index
            %get3A_363 = arith.constant 96 : index
            %get3A_364 = tpu.vector_load %arg12[%get3A_362, %get3A_363] {strides = array<i32>} : memref<128x128xf32, #tpu.memory_space<vmem>>, vector<1x16xf32>,
            %get3A_365 = vector.shape_cast %get3A_364 : vector<1x16xf32> to vector<16xf32>
            %add3A_366 = arith.addf %get3A_361, %get3A_365 : vector<16xf32>
            %max3A_367 = arith.constant 0.000000e+00 : f32
            %max3A_368 = vector.broadcast %max3A_367 : f32 to vector<16xf32>
            %max3A_369 = arith.maximumf %add3A_366, %max3A_368 : vector<16xf32>
            %swap3A_370 = arith.index_cast %scan3A_258 : i32 to index
            %swap3A_371 = arith.constant 96 : index
            %swap3A_372 = tpu.vector_load %arg13[%swap3A_370, %swap3A_371] {strides = array<i32>} : memref<128x128xf32, #tpu.memory_space<vmem>>, vector<1x16xf32>,
            %swap3A_373 = vector.shape_cast %swap3A_372 : vector<1x16xf32> to vector<16xf32>
            %swap3A_374 = vector.shape_cast %max3A_369 : vector<16xf32> to vector<1x16xf32>
            tpu.vector_store %arg13[%swap3A_370, %swap3A_371], %swap3A_374 {strides = array<i32>} : memref<128x128xf32, #tpu.memory_space<vmem>>, vector<1x16xf32>,
            %get3A_375 = arith.index_cast %scan3A_258 : i32 to index
            %get3A_376 = arith.constant 112 : index
            %get3A_377 = tpu.vector_load %arg13[%get3A_375, %get3A_376] {strides = array<i32>} : memref<128x128xf32, #tpu.memory_space<vmem>>, vector<1x16xf32>,
            %get3A_378 = vector.shape_cast %get3A_377 : vector<1x16xf32> to vector<16xf32>
            %get3A_379 = arith.index_cast %scan3A_258 : i32 to index
            %get3A_380 = arith.constant 112 : index
            %get3A_381 = tpu.vector_load %arg12[%get3A_379, %get3A_380] {strides = array<i32>} : memref<128x128xf32, #tpu.memory_space<vmem>>, vector<1x16xf32>,
            %get3A_382 = vector.shape_cast %get3A_381 : vector<1x16xf32> to vector<16xf32>
            %add3A_383 = arith.addf %get3A_378, %get3A_382 : vector<16xf32>
            %max3A_384 = arith.constant 0.000000e+00 : f32
            %max3A_385 = vector.broadcast %max3A_384 : f32 to vector<16xf32>
            %max3A_386 = arith.maximumf %add3A_383, %max3A_385 : vector<16xf32>
            %swap3A_387 = arith.index_cast %scan3A_258 : i32 to index
            %swap3A_388 = arith.constant 112 : index
            %swap3A_389 = tpu.vector_load %arg13[%swap3A_387, %swap3A_388] {strides = array<i32>} : memref<128x128xf32, #tpu.memory_space<vmem>>, vector<1x16xf32>,
            %swap3A_390 = vector.shape_cast %swap3A_389 : vector<1x16xf32> to vector<16xf32>
            %swap3A_391 = vector.shape_cast %max3A_386 : vector<16xf32> to vector<1x16xf32>
            tpu.vector_store %arg13[%swap3A_387, %swap3A_388], %swap3A_391 {strides = array<i32>} : memref<128x128xf32, #tpu.memory_space<vmem>>, vector<1x16xf32>,
          }
          %scan3A_257 = arith.constant 128 : i32
        } else {
        }
        %mul3A_232 = arith.constant 128 : i32
        %mul3A_233 = arith.muli %add3A_163, %mul3A_232 : i32
        %dma_wait3A_234 = tpu.memref_slice %arg5[%mul3A_233] : memref<320000xi32, #tpu.memory_space<hbm>> -> memref<128xi32, #tpu.memory_space<hbm>>
        %dma_wait3A_235 = tpu.memref_slice %arg5[%mul3A_233] : memref<320000xi32, #tpu.memory_space<hbm>> -> memref<128xi32, #tpu.memory_space<hbm>>
        tpu.wait_dma2 semaphore(%arg16 : memref<!tpu.dma_semaphore, #tpu.memory_space<semaphore_mem>>) src(%dma_wait3A_235 : memref<128xi32, #tpu.memory_space<hbm>>) dst(%arg10 : memref<128xi32, #tpu.memory_space<vmem>>)
        %dma_start3A_236 = arith.constant 0 : i32
        %dma_start3A_237 = arith.constant 0 : i32
        %dma_start3A_238 = tpu.memref_slice %arg22[%dma_start3A_236, %dma_start3A_237] : memref<10000x128xf32, #tpu.memory_space<vmem_shared>> -> memref<10000x128xf32, #tpu.memory_space<vmem_shared>>
        tpu.enqueue_indirect_dma source(%arg13 : memref<128x128xf32, #tpu.memory_space<vmem>>) target(%dma_start3A_238 : memref<10000x128xf32, #tpu.memory_space<vmem_shared>>) offsets(%arg10 : memref<128xi32, #tpu.memory_space<vmem>>) semaphore(%arg21 : memref<!tpu.dma_semaphore, #tpu.memory_space<semaphore_mem>>) {add = true}
      } else {
      }
    }
    %scan3A_86 = arith.constant 80 : i32
    %barrier3A_87 = arith.constant 0 : index
    tpu.barrier barrier_id(%barrier3A_87)
    %mul3A_88 = arith.constant 8 : i32
    %mul3A_89 = arith.muli %arg1, %mul3A_88 : i32
    %add3A_90 = arith.constant 0 : i32
    %add3A_91 = arith.addi %mul3A_89, %add3A_90 : i32
    %lt3A_92 = arith.constant 125 : i32
    %lt3A_93 = arith.cmpi slt, %add3A_91, %lt3A_92 : i32
    %convert_element_type3A_94 = arith.extui %lt3A_93 : i1 to i32
    %cond3A_95 = arith.constant 0 : i32
    %cond3A_96 = arith.cmpi ne, %convert_element_type3A_94, %cond3A_95 : i32
    scf.if %cond3A_96 {
      %mul3A_160 = arith.constant 80 : i32
      %mul3A_161 = arith.muli %add3A_91, %mul3A_160 : i32
      %mul3A_162 = arith.constant 80 : i32
      %mul3A_163 = arith.muli %add3A_91, %mul3A_162 : i32
      "tpu.region"() ({
        %run_scoped3A = tpu.sem_alloc : memref<!tpu.dma_semaphore, #tpu.memory_space<semaphore_mem>>
        %dma_start3A = arith.constant 0 : i32
        %dma_start3A_164 = tpu.memref_slice %arg7[%arg0, %mul3A_163, %dma_start3A] : memref<2x10000x128xf32, #tpu.memory_space<hbm>> -> memref<1x80x128xf32, #tpu.memory_space<hbm>>
        %dma_start3A_165 = tpu.memref_squeeze %dma_start3A_164 : memref<1x80x128xf32, #tpu.memory_space<hbm>> -> memref<80x128xf32, #tpu.memory_space<hbm>>
        %dma_start3A_166 = arith.constant 0 : i32
        %dma_start3A_167 = tpu.memref_slice %arg22[%mul3A_161, %dma_start3A_166] : memref<10000x128xf32, #tpu.memory_space<vmem_shared>> -> memref<80x128xf32, #tpu.memory_space<vmem_shared>>
        tpu.enqueue_dma source(%dma_start3A_167 : memref<80x128xf32, #tpu.memory_space<vmem_shared>>) target(%dma_start3A_165 : memref<80x128xf32, #tpu.memory_space<hbm>>) target_semaphore(%run_scoped3A : memref<!tpu.dma_semaphore, #tpu.memory_space<semaphore_mem>>)
        %dma_wait3A = arith.constant 0 : i32
        %dma_wait3A_168 = tpu.memref_slice %arg7[%arg0, %mul3A_163, %dma_wait3A] : memref<2x10000x128xf32, #tpu.memory_space<hbm>> -> memref<1x80x128xf32, #tpu.memory_space<hbm>>
        %dma_wait3A_169 = tpu.memref_squeeze %dma_wait3A_168 : memref<1x80x128xf32, #tpu.memory_space<hbm>> -> memref<80x128xf32, #tpu.memory_space<hbm>>
        %dma_wait3A_170 = arith.constant 0 : i32
        %dma_wait3A_171 = tpu.memref_slice %arg22[%mul3A_161, %dma_wait3A_170] : memref<10000x128xf32, #tpu.memory_space<vmem_shared>> -> memref<80x128xf32, #tpu.memory_space<vmem_shared>>
        tpu.wait_dma2 semaphore(%run_scoped3A : memref<!tpu.dma_semaphore, #tpu.memory_space<semaphore_mem>>) src(%dma_wait3A_171 : memref<80x128xf32, #tpu.memory_space<vmem_shared>>) dst(%dma_wait3A_169 : memref<80x128xf32, #tpu.memory_space<hbm>>)
        tpu.yield
      }) : () -> ()
    } else {
    }
    %mul3A_97 = arith.constant 8 : i32
    %mul3A_98 = arith.muli %arg1, %mul3A_97 : i32
    %add3A_99 = arith.constant 1 : i32
    %add3A_100 = arith.addi %mul3A_98, %add3A_99 : i32
    %lt3A_101 = arith.constant 125 : i32
    %lt3A_102 = arith.cmpi slt, %add3A_100, %lt3A_101 : i32
    %convert_element_type3A_103 = arith.extui %lt3A_102 : i1 to i32
    %cond3A_104 = arith.constant 0 : i32
    %cond3A_105 = arith.cmpi ne, %convert_element_type3A_103, %cond3A_104 : i32
    scf.if %cond3A_105 {
      %mul3A_160 = arith.constant 80 : i32
      %mul3A_161 = arith.muli %add3A_100, %mul3A_160 : i32
      %mul3A_162 = arith.constant 80 : i32
      %mul3A_163 = arith.muli %add3A_100, %mul3A_162 : i32
      "tpu.region"() ({
        %run_scoped3A = tpu.sem_alloc : memref<!tpu.dma_semaphore, #tpu.memory_space<semaphore_mem>>
        %dma_start3A = arith.constant 0 : i32
        %dma_start3A_164 = tpu.memref_slice %arg7[%arg0, %mul3A_163, %dma_start3A] : memref<2x10000x128xf32, #tpu.memory_space<hbm>> -> memref<1x80x128xf32, #tpu.memory_space<hbm>>
        %dma_start3A_165 = tpu.memref_squeeze %dma_start3A_164 : memref<1x80x128xf32, #tpu.memory_space<hbm>> -> memref<80x128xf32, #tpu.memory_space<hbm>>
        %dma_start3A_166 = arith.constant 0 : i32
        %dma_start3A_167 = tpu.memref_slice %arg22[%mul3A_161, %dma_start3A_166] : memref<10000x128xf32, #tpu.memory_space<vmem_shared>> -> memref<80x128xf32, #tpu.memory_space<vmem_shared>>
        tpu.enqueue_dma source(%dma_start3A_167 : memref<80x128xf32, #tpu.memory_space<vmem_shared>>) target(%dma_start3A_165 : memref<80x128xf32, #tpu.memory_space<hbm>>) target_semaphore(%run_scoped3A : memref<!tpu.dma_semaphore, #tpu.memory_space<semaphore_mem>>)
        %dma_wait3A = arith.constant 0 : i32
        %dma_wait3A_168 = tpu.memref_slice %arg7[%arg0, %mul3A_163, %dma_wait3A] : memref<2x10000x128xf32, #tpu.memory_space<hbm>> -> memref<1x80x128xf32, #tpu.memory_space<hbm>>
        %dma_wait3A_169 = tpu.memref_squeeze %dma_wait3A_168 : memref<1x80x128xf32, #tpu.memory_space<hbm>> -> memref<80x128xf32, #tpu.memory_space<hbm>>
        %dma_wait3A_170 = arith.constant 0 : i32
        %dma_wait3A_171 = tpu.memref_slice %arg22[%mul3A_161, %dma_wait3A_170] : memref<10000x128xf32, #tpu.memory_space<vmem_shared>> -> memref<80x128xf32, #tpu.memory_space<vmem_shared>>
        tpu.wait_dma2 semaphore(%run_scoped3A : memref<!tpu.dma_semaphore, #tpu.memory_space<semaphore_mem>>) src(%dma_wait3A_171 : memref<80x128xf32, #tpu.memory_space<vmem_shared>>) dst(%dma_wait3A_169 : memref<80x128xf32, #tpu.memory_space<hbm>>)
        tpu.yield
      }) : () -> ()
    } else {
    }
    %mul3A_106 = arith.constant 8 : i32
    %mul3A_107 = arith.muli %arg1, %mul3A_106 : i32
    %add3A_108 = arith.constant 2 : i32
    %add3A_109 = arith.addi %mul3A_107, %add3A_108 : i32
    %lt3A_110 = arith.constant 125 : i32
    %lt3A_111 = arith.cmpi slt, %add3A_109, %lt3A_110 : i32
    %convert_element_type3A_112 = arith.extui %lt3A_111 : i1 to i32
    %cond3A_113 = arith.constant 0 : i32
    %cond3A_114 = arith.cmpi ne, %convert_element_type3A_112, %cond3A_113 : i32
    scf.if %cond3A_114 {
      %mul3A_160 = arith.constant 80 : i32
      %mul3A_161 = arith.muli %add3A_109, %mul3A_160 : i32
      %mul3A_162 = arith.constant 80 : i32
      %mul3A_163 = arith.muli %add3A_109, %mul3A_162 : i32
      "tpu.region"() ({
        %run_scoped3A = tpu.sem_alloc : memref<!tpu.dma_semaphore, #tpu.memory_space<semaphore_mem>>
        %dma_start3A = arith.constant 0 : i32
        %dma_start3A_164 = tpu.memref_slice %arg7[%arg0, %mul3A_163, %dma_start3A] : memref<2x10000x128xf32, #tpu.memory_space<hbm>> -> memref<1x80x128xf32, #tpu.memory_space<hbm>>
        %dma_start3A_165 = tpu.memref_squeeze %dma_start3A_164 : memref<1x80x128xf32, #tpu.memory_space<hbm>> -> memref<80x128xf32, #tpu.memory_space<hbm>>
        %dma_start3A_166 = arith.constant 0 : i32
        %dma_start3A_167 = tpu.memref_slice %arg22[%mul3A_161, %dma_start3A_166] : memref<10000x128xf32, #tpu.memory_space<vmem_shared>> -> memref<80x128xf32, #tpu.memory_space<vmem_shared>>
        tpu.enqueue_dma source(%dma_start3A_167 : memref<80x128xf32, #tpu.memory_space<vmem_shared>>) target(%dma_start3A_165 : memref<80x128xf32, #tpu.memory_space<hbm>>) target_semaphore(%run_scoped3A : memref<!tpu.dma_semaphore, #tpu.memory_space<semaphore_mem>>)
        %dma_wait3A = arith.constant 0 : i32
        %dma_wait3A_168 = tpu.memref_slice %arg7[%arg0, %mul3A_163, %dma_wait3A] : memref<2x10000x128xf32, #tpu.memory_space<hbm>> -> memref<1x80x128xf32, #tpu.memory_space<hbm>>
        %dma_wait3A_169 = tpu.memref_squeeze %dma_wait3A_168 : memref<1x80x128xf32, #tpu.memory_space<hbm>> -> memref<80x128xf32, #tpu.memory_space<hbm>>
        %dma_wait3A_170 = arith.constant 0 : i32
        %dma_wait3A_171 = tpu.memref_slice %arg22[%mul3A_161, %dma_wait3A_170] : memref<10000x128xf32, #tpu.memory_space<vmem_shared>> -> memref<80x128xf32, #tpu.memory_space<vmem_shared>>
        tpu.wait_dma2 semaphore(%run_scoped3A : memref<!tpu.dma_semaphore, #tpu.memory_space<semaphore_mem>>) src(%dma_wait3A_171 : memref<80x128xf32, #tpu.memory_space<vmem_shared>>) dst(%dma_wait3A_169 : memref<80x128xf32, #tpu.memory_space<hbm>>)
        tpu.yield
      }) : () -> ()
    } else {
    }
    %mul3A_115 = arith.constant 8 : i32
    %mul3A_116 = arith.muli %arg1, %mul3A_115 : i32
    %add3A_117 = arith.constant 3 : i32
    %add3A_118 = arith.addi %mul3A_116, %add3A_117 : i32
    %lt3A_119 = arith.constant 125 : i32
    %lt3A_120 = arith.cmpi slt, %add3A_118, %lt3A_119 : i32
    %convert_element_type3A_121 = arith.extui %lt3A_120 : i1 to i32
    %cond3A_122 = arith.constant 0 : i32
    %cond3A_123 = arith.cmpi ne, %convert_element_type3A_121, %cond3A_122 : i32
    scf.if %cond3A_123 {
      %mul3A_160 = arith.constant 80 : i32
      %mul3A_161 = arith.muli %add3A_118, %mul3A_160 : i32
      %mul3A_162 = arith.constant 80 : i32
      %mul3A_163 = arith.muli %add3A_118, %mul3A_162 : i32
      "tpu.region"() ({
        %run_scoped3A = tpu.sem_alloc : memref<!tpu.dma_semaphore, #tpu.memory_space<semaphore_mem>>
        %dma_start3A = arith.constant 0 : i32
        %dma_start3A_164 = tpu.memref_slice %arg7[%arg0, %mul3A_163, %dma_start3A] : memref<2x10000x128xf32, #tpu.memory_space<hbm>> -> memref<1x80x128xf32, #tpu.memory_space<hbm>>
        %dma_start3A_165 = tpu.memref_squeeze %dma_start3A_164 : memref<1x80x128xf32, #tpu.memory_space<hbm>> -> memref<80x128xf32, #tpu.memory_space<hbm>>
        %dma_start3A_166 = arith.constant 0 : i32
        %dma_start3A_167 = tpu.memref_slice %arg22[%mul3A_161, %dma_start3A_166] : memref<10000x128xf32, #tpu.memory_space<vmem_shared>> -> memref<80x128xf32, #tpu.memory_space<vmem_shared>>
        tpu.enqueue_dma source(%dma_start3A_167 : memref<80x128xf32, #tpu.memory_space<vmem_shared>>) target(%dma_start3A_165 : memref<80x128xf32, #tpu.memory_space<hbm>>) target_semaphore(%run_scoped3A : memref<!tpu.dma_semaphore, #tpu.memory_space<semaphore_mem>>)
        %dma_wait3A = arith.constant 0 : i32
        %dma_wait3A_168 = tpu.memref_slice %arg7[%arg0, %mul3A_163, %dma_wait3A] : memref<2x10000x128xf32, #tpu.memory_space<hbm>> -> memref<1x80x128xf32, #tpu.memory_space<hbm>>
        %dma_wait3A_169 = tpu.memref_squeeze %dma_wait3A_168 : memref<1x80x128xf32, #tpu.memory_space<hbm>> -> memref<80x128xf32, #tpu.memory_space<hbm>>
        %dma_wait3A_170 = arith.constant 0 : i32
        %dma_wait3A_171 = tpu.memref_slice %arg22[%mul3A_161, %dma_wait3A_170] : memref<10000x128xf32, #tpu.memory_space<vmem_shared>> -> memref<80x128xf32, #tpu.memory_space<vmem_shared>>
        tpu.wait_dma2 semaphore(%run_scoped3A : memref<!tpu.dma_semaphore, #tpu.memory_space<semaphore_mem>>) src(%dma_wait3A_171 : memref<80x128xf32, #tpu.memory_space<vmem_shared>>) dst(%dma_wait3A_169 : memref<80x128xf32, #tpu.memory_space<hbm>>)
        tpu.yield
      }) : () -> ()
    } else {
    }
    %mul3A_124 = arith.constant 8 : i32
    %mul3A_125 = arith.muli %arg1, %mul3A_124 : i32
    %add3A_126 = arith.constant 4 : i32
    %add3A_127 = arith.addi %mul3A_125, %add3A_126 : i32
    %lt3A_128 = arith.constant 125 : i32
    %lt3A_129 = arith.cmpi slt, %add3A_127, %lt3A_128 : i32
    %convert_element_type3A_130 = arith.extui %lt3A_129 : i1 to i32
    %cond3A_131 = arith.constant 0 : i32
    %cond3A_132 = arith.cmpi ne, %convert_element_type3A_130, %cond3A_131 : i32
    scf.if %cond3A_132 {
      %mul3A_160 = arith.constant 80 : i32
      %mul3A_161 = arith.muli %add3A_127, %mul3A_160 : i32
      %mul3A_162 = arith.constant 80 : i32
      %mul3A_163 = arith.muli %add3A_127, %mul3A_162 : i32
      "tpu.region"() ({
        %run_scoped3A = tpu.sem_alloc : memref<!tpu.dma_semaphore, #tpu.memory_space<semaphore_mem>>
        %dma_start3A = arith.constant 0 : i32
        %dma_start3A_164 = tpu.memref_slice %arg7[%arg0, %mul3A_163, %dma_start3A] : memref<2x10000x128xf32, #tpu.memory_space<hbm>> -> memref<1x80x128xf32, #tpu.memory_space<hbm>>
        %dma_start3A_165 = tpu.memref_squeeze %dma_start3A_164 : memref<1x80x128xf32, #tpu.memory_space<hbm>> -> memref<80x128xf32, #tpu.memory_space<hbm>>
        %dma_start3A_166 = arith.constant 0 : i32
        %dma_start3A_167 = tpu.memref_slice %arg22[%mul3A_161, %dma_start3A_166] : memref<10000x128xf32, #tpu.memory_space<vmem_shared>> -> memref<80x128xf32, #tpu.memory_space<vmem_shared>>
        tpu.enqueue_dma source(%dma_start3A_167 : memref<80x128xf32, #tpu.memory_space<vmem_shared>>) target(%dma_start3A_165 : memref<80x128xf32, #tpu.memory_space<hbm>>) target_semaphore(%run_scoped3A : memref<!tpu.dma_semaphore, #tpu.memory_space<semaphore_mem>>)
        %dma_wait3A = arith.constant 0 : i32
        %dma_wait3A_168 = tpu.memref_slice %arg7[%arg0, %mul3A_163, %dma_wait3A] : memref<2x10000x128xf32, #tpu.memory_space<hbm>> -> memref<1x80x128xf32, #tpu.memory_space<hbm>>
        %dma_wait3A_169 = tpu.memref_squeeze %dma_wait3A_168 : memref<1x80x128xf32, #tpu.memory_space<hbm>> -> memref<80x128xf32, #tpu.memory_space<hbm>>
        %dma_wait3A_170 = arith.constant 0 : i32
        %dma_wait3A_171 = tpu.memref_slice %arg22[%mul3A_161, %dma_wait3A_170] : memref<10000x128xf32, #tpu.memory_space<vmem_shared>> -> memref<80x128xf32, #tpu.memory_space<vmem_shared>>
        tpu.wait_dma2 semaphore(%run_scoped3A : memref<!tpu.dma_semaphore, #tpu.memory_space<semaphore_mem>>) src(%dma_wait3A_171 : memref<80x128xf32, #tpu.memory_space<vmem_shared>>) dst(%dma_wait3A_169 : memref<80x128xf32, #tpu.memory_space<hbm>>)
        tpu.yield
      }) : () -> ()
    } else {
    }
    %mul3A_133 = arith.constant 8 : i32
    %mul3A_134 = arith.muli %arg1, %mul3A_133 : i32
    %add3A_135 = arith.constant 5 : i32
    %add3A_136 = arith.addi %mul3A_134, %add3A_135 : i32
    %lt3A_137 = arith.constant 125 : i32
    %lt3A_138 = arith.cmpi slt, %add3A_136, %lt3A_137 : i32
    %convert_element_type3A_139 = arith.extui %lt3A_138 : i1 to i32
    %cond3A_140 = arith.constant 0 : i32
    %cond3A_141 = arith.cmpi ne, %convert_element_type3A_139, %cond3A_140 : i32
    scf.if %cond3A_141 {
      %mul3A_160 = arith.constant 80 : i32
      %mul3A_161 = arith.muli %add3A_136, %mul3A_160 : i32
      %mul3A_162 = arith.constant 80 : i32
      %mul3A_163 = arith.muli %add3A_136, %mul3A_162 : i32
      "tpu.region"() ({
        %run_scoped3A = tpu.sem_alloc : memref<!tpu.dma_semaphore, #tpu.memory_space<semaphore_mem>>
        %dma_start3A = arith.constant 0 : i32
        %dma_start3A_164 = tpu.memref_slice %arg7[%arg0, %mul3A_163, %dma_start3A] : memref<2x10000x128xf32, #tpu.memory_space<hbm>> -> memref<1x80x128xf32, #tpu.memory_space<hbm>>
        %dma_start3A_165 = tpu.memref_squeeze %dma_start3A_164 : memref<1x80x128xf32, #tpu.memory_space<hbm>> -> memref<80x128xf32, #tpu.memory_space<hbm>>
        %dma_start3A_166 = arith.constant 0 : i32
        %dma_start3A_167 = tpu.memref_slice %arg22[%mul3A_161, %dma_start3A_166] : memref<10000x128xf32, #tpu.memory_space<vmem_shared>> -> memref<80x128xf32, #tpu.memory_space<vmem_shared>>
        tpu.enqueue_dma source(%dma_start3A_167 : memref<80x128xf32, #tpu.memory_space<vmem_shared>>) target(%dma_start3A_165 : memref<80x128xf32, #tpu.memory_space<hbm>>) target_semaphore(%run_scoped3A : memref<!tpu.dma_semaphore, #tpu.memory_space<semaphore_mem>>)
        %dma_wait3A = arith.constant 0 : i32
        %dma_wait3A_168 = tpu.memref_slice %arg7[%arg0, %mul3A_163, %dma_wait3A] : memref<2x10000x128xf32, #tpu.memory_space<hbm>> -> memref<1x80x128xf32, #tpu.memory_space<hbm>>
        %dma_wait3A_169 = tpu.memref_squeeze %dma_wait3A_168 : memref<1x80x128xf32, #tpu.memory_space<hbm>> -> memref<80x128xf32, #tpu.memory_space<hbm>>
        %dma_wait3A_170 = arith.constant 0 : i32
        %dma_wait3A_171 = tpu.memref_slice %arg22[%mul3A_161, %dma_wait3A_170] : memref<10000x128xf32, #tpu.memory_space<vmem_shared>> -> memref<80x128xf32, #tpu.memory_space<vmem_shared>>
        tpu.wait_dma2 semaphore(%run_scoped3A : memref<!tpu.dma_semaphore, #tpu.memory_space<semaphore_mem>>) src(%dma_wait3A_171 : memref<80x128xf32, #tpu.memory_space<vmem_shared>>) dst(%dma_wait3A_169 : memref<80x128xf32, #tpu.memory_space<hbm>>)
        tpu.yield
      }) : () -> ()
    } else {
    }
    %mul3A_142 = arith.constant 8 : i32
    %mul3A_143 = arith.muli %arg1, %mul3A_142 : i32
    %add3A_144 = arith.constant 6 : i32
    %add3A_145 = arith.addi %mul3A_143, %add3A_144 : i32
    %lt3A_146 = arith.constant 125 : i32
    %lt3A_147 = arith.cmpi slt, %add3A_145, %lt3A_146 : i32
    %convert_element_type3A_148 = arith.extui %lt3A_147 : i1 to i32
    %cond3A_149 = arith.constant 0 : i32
    %cond3A_150 = arith.cmpi ne, %convert_element_type3A_148, %cond3A_149 : i32
    scf.if %cond3A_150 {
      %mul3A_160 = arith.constant 80 : i32
      %mul3A_161 = arith.muli %add3A_145, %mul3A_160 : i32
      %mul3A_162 = arith.constant 80 : i32
      %mul3A_163 = arith.muli %add3A_145, %mul3A_162 : i32
      "tpu.region"() ({
        %run_scoped3A = tpu.sem_alloc : memref<!tpu.dma_semaphore, #tpu.memory_space<semaphore_mem>>
        %dma_start3A = arith.constant 0 : i32
        %dma_start3A_164 = tpu.memref_slice %arg7[%arg0, %mul3A_163, %dma_start3A] : memref<2x10000x128xf32, #tpu.memory_space<hbm>> -> memref<1x80x128xf32, #tpu.memory_space<hbm>>
        %dma_start3A_165 = tpu.memref_squeeze %dma_start3A_164 : memref<1x80x128xf32, #tpu.memory_space<hbm>> -> memref<80x128xf32, #tpu.memory_space<hbm>>
        %dma_start3A_166 = arith.constant 0 : i32
        %dma_start3A_167 = tpu.memref_slice %arg22[%mul3A_161, %dma_start3A_166] : memref<10000x128xf32, #tpu.memory_space<vmem_shared>> -> memref<80x128xf32, #tpu.memory_space<vmem_shared>>
        tpu.enqueue_dma source(%dma_start3A_167 : memref<80x128xf32, #tpu.memory_space<vmem_shared>>) target(%dma_start3A_165 : memref<80x128xf32, #tpu.memory_space<hbm>>) target_semaphore(%run_scoped3A : memref<!tpu.dma_semaphore, #tpu.memory_space<semaphore_mem>>)
        %dma_wait3A = arith.constant 0 : i32
        %dma_wait3A_168 = tpu.memref_slice %arg7[%arg0, %mul3A_163, %dma_wait3A] : memref<2x10000x128xf32, #tpu.memory_space<hbm>> -> memref<1x80x128xf32, #tpu.memory_space<hbm>>
        %dma_wait3A_169 = tpu.memref_squeeze %dma_wait3A_168 : memref<1x80x128xf32, #tpu.memory_space<hbm>> -> memref<80x128xf32, #tpu.memory_space<hbm>>
        %dma_wait3A_170 = arith.constant 0 : i32
        %dma_wait3A_171 = tpu.memref_slice %arg22[%mul3A_161, %dma_wait3A_170] : memref<10000x128xf32, #tpu.memory_space<vmem_shared>> -> memref<80x128xf32, #tpu.memory_space<vmem_shared>>
        tpu.wait_dma2 semaphore(%run_scoped3A : memref<!tpu.dma_semaphore, #tpu.memory_space<semaphore_mem>>) src(%dma_wait3A_171 : memref<80x128xf32, #tpu.memory_space<vmem_shared>>) dst(%dma_wait3A_169 : memref<80x128xf32, #tpu.memory_space<hbm>>)
        tpu.yield
      }) : () -> ()
    } else {
    }
    %mul3A_151 = arith.constant 8 : i32
    %mul3A_152 = arith.muli %arg1, %mul3A_151 : i32
    %add3A_153 = arith.constant 7 : i32
    %add3A_154 = arith.addi %mul3A_152, %add3A_153 : i32
    %lt3A_155 = arith.constant 125 : i32
    %lt3A_156 = arith.cmpi slt, %add3A_154, %lt3A_155 : i32
    %convert_element_type3A_157 = arith.extui %lt3A_156 : i1 to i32
    %cond3A_158 = arith.constant 0 : i32
    %cond3A_159 = arith.cmpi ne, %convert_element_type3A_157, %cond3A_158 : i32
    scf.if %cond3A_159 {
      %mul3A_160 = arith.constant 80 : i32
      %mul3A_161 = arith.muli %add3A_154, %mul3A_160 : i32
      %mul3A_162 = arith.constant 80 : i32
      %mul3A_163 = arith.muli %add3A_154, %mul3A_162 : i32
      "tpu.region"() ({
        %run_scoped3A = tpu.sem_alloc : memref<!tpu.dma_semaphore, #tpu.memory_space<semaphore_mem>>
        %dma_start3A = arith.constant 0 : i32
        %dma_start3A_164 = tpu.memref_slice %arg7[%arg0, %mul3A_163, %dma_start3A] : memref<2x10000x128xf32, #tpu.memory_space<hbm>> -> memref<1x80x128xf32, #tpu.memory_space<hbm>>
        %dma_start3A_165 = tpu.memref_squeeze %dma_start3A_164 : memref<1x80x128xf32, #tpu.memory_space<hbm>> -> memref<80x128xf32, #tpu.memory_space<hbm>>
        %dma_start3A_166 = arith.constant 0 : i32
        %dma_start3A_167 = tpu.memref_slice %arg22[%mul3A_161, %dma_start3A_166] : memref<10000x128xf32, #tpu.memory_space<vmem_shared>> -> memref<80x128xf32, #tpu.memory_space<vmem_shared>>
        tpu.enqueue_dma source(%dma_start3A_167 : memref<80x128xf32, #tpu.memory_space<vmem_shared>>) target(%dma_start3A_165 : memref<80x128xf32, #tpu.memory_space<hbm>>) target_semaphore(%run_scoped3A : memref<!tpu.dma_semaphore, #tpu.memory_space<semaphore_mem>>)
        %dma_wait3A = arith.constant 0 : i32
        %dma_wait3A_168 = tpu.memref_slice %arg7[%arg0, %mul3A_163, %dma_wait3A] : memref<2x10000x128xf32, #tpu.memory_space<hbm>> -> memref<1x80x128xf32, #tpu.memory_space<hbm>>
        %dma_wait3A_169 = tpu.memref_squeeze %dma_wait3A_168 : memref<1x80x128xf32, #tpu.memory_space<hbm>> -> memref<80x128xf32, #tpu.memory_space<hbm>>
        %dma_wait3A_170 = arith.constant 0 : i32
        %dma_wait3A_171 = tpu.memref_slice %arg22[%mul3A_161, %dma_wait3A_170] : memref<10000x128xf32, #tpu.memory_space<vmem_shared>> -> memref<80x128xf32, #tpu.memory_space<vmem_shared>>
        tpu.wait_dma2 semaphore(%run_scoped3A : memref<!tpu.dma_semaphore, #tpu.memory_space<semaphore_mem>>) src(%dma_wait3A_171 : memref<80x128xf32, #tpu.memory_space<vmem_shared>>) dst(%dma_wait3A_169 : memref<80x128xf32, #tpu.memory_space<hbm>>)
        tpu.yield
      }) : () -> ()
    } else {
    }
    return
  }
}

module attributes {stable_mosaic.version = 14 : i64} {
  func.func @body(%arg0: i32, %arg1: memref<1000x128xf32, #tpu.memory_space<vmem>>, %arg2: memref<2x1000x128xf32, #tpu.memory_space<vmem>>, %arg3: memref<128x128xf32, #tpu.memory_space<vmem>>, %arg4: memref<1x128xf32, #tpu.memory_space<vmem>>, %arg5: memref<128x128xf32, #tpu.memory_space<vmem>>, %arg6: memref<1x128xf32, #tpu.memory_space<vmem>>, %arg7: memref<1000x128xf32, #tpu.memory_space<vmem>>) attributes {dimension_semantics = [#tpu.dimension_semantics<arbitrary>], iteration_bounds = array<i64: 10>, scalar_prefetch = 0 : i64, scratch_operands = 0 : i64, tpu.core_type = #tpu.core_type<tc>, window_params = [{transform_indices = @transform_0, window_bounds = array<i64: 1000, 128>}, {transform_indices = @transform_1, window_bounds = array<i64: 2, 1000, 128>}, {pipeline_mode = #tpu.pipeline_mode<synchronous>, transform_indices = @transform_2, window_bounds = array<i64: 128, 128>}, {pipeline_mode = #tpu.pipeline_mode<synchronous>, transform_indices = @transform_3, window_bounds = array<i64: 1, 128>}, {pipeline_mode = #tpu.pipeline_mode<synchronous>, transform_indices = @transform_4, window_bounds = array<i64: 128, 128>}, {pipeline_mode = #tpu.pipeline_mode<synchronous>, transform_indices = @transform_5, window_bounds = array<i64: 1, 128>}, {transform_indices = @transform_6, window_bounds = array<i64: 1000, 128>}]} {
    %get3A = arith.constant 0 : index
    %get3A_0 = arith.constant 0 : index
    %get3A_1 = vector.load %arg1[%get3A, %get3A_0] : memref<1000x128xf32, #tpu.memory_space<vmem>>, vector<1000x128xf32>
    %get3A_2 = arith.constant 0 : index
    %get3A_3 = arith.constant 0 : index
    %get3A_4 = arith.constant 0 : index
    %get3A_5 = vector.load %arg2[%get3A_2, %get3A_3, %get3A_4] : memref<2x1000x128xf32, #tpu.memory_space<vmem>>, vector<1x1000x128xf32>
    %get3A_6 = vector.shape_cast %get3A_5 : vector<1x1000x128xf32> to vector<1000x128xf32>
    %add3A = arith.addf %get3A_1, %get3A_6 : vector<1000x128xf32>
    %get3A_7 = arith.constant 1 : index
    %get3A_8 = arith.constant 0 : index
    %get3A_9 = arith.constant 0 : index
    %get3A_10 = vector.load %arg2[%get3A_7, %get3A_8, %get3A_9] : memref<2x1000x128xf32, #tpu.memory_space<vmem>>, vector<1x1000x128xf32>
    %get3A_11 = vector.shape_cast %get3A_10 : vector<1x1000x128xf32> to vector<1000x128xf32>
    %add3A_12 = arith.addf %add3A, %get3A_11 : vector<1000x128xf32>
    %get3A_13 = arith.constant 0 : index
    %get3A_14 = arith.constant 0 : index
    %get3A_15 = vector.load %arg3[%get3A_13, %get3A_14] : memref<128x128xf32, #tpu.memory_space<vmem>>, vector<128x128xf32>
    %dot_general3A = arith.constant dense<0.000000e+00> : vector<1000x128xf32>
    %dot_general3A_16 = tpu.matmul %add3A_12, %get3A_15, %dot_general3A {dimension_numbers = #tpu.dot_dimension_numbers<[1], [1], [0], [0], [0, 0, 1, 0], [], []>, transpose_lhs_hint = false} : vector<1000x128xf32>, vector<128x128xf32>, vector<1000x128xf32> -> vector<1000x128xf32>
    %get3A_17 = arith.constant 0 : index
    %get3A_18 = arith.constant 0 : index
    %get3A_19 = vector.load %arg4[%get3A_17, %get3A_18] : memref<1x128xf32, #tpu.memory_space<vmem>>, vector<1x128xf32>
    %add3A_20 = vector.broadcast %get3A_19 : vector<1x128xf32> to vector<1000x128xf32>
    %add3A_21 = arith.addf %dot_general3A_16, %add3A_20 : vector<1000x128xf32>
    %max3A = arith.constant 0.000000e+00 : f32
    %max3A_22 = vector.broadcast %max3A : f32 to vector<1000x128xf32>
    %max3A_23 = arith.maximumf %add3A_21, %max3A_22 : vector<1000x128xf32>
    %get3A_24 = arith.constant 0 : index
    %get3A_25 = arith.constant 0 : index
    %get3A_26 = vector.load %arg5[%get3A_24, %get3A_25] : memref<128x128xf32, #tpu.memory_space<vmem>>, vector<128x128xf32>
    %dot_general3A_27 = arith.constant dense<0.000000e+00> : vector<1000x128xf32>
    %dot_general3A_28 = tpu.matmul %max3A_23, %get3A_26, %dot_general3A_27 {dimension_numbers = #tpu.dot_dimension_numbers<[1], [1], [0], [0], [0, 0, 1, 0], [], []>, transpose_lhs_hint = false} : vector<1000x128xf32>, vector<128x128xf32>, vector<1000x128xf32> -> vector<1000x128xf32>
    %get3A_29 = arith.constant 0 : index
    %get3A_30 = arith.constant 0 : index
    %get3A_31 = vector.load %arg6[%get3A_29, %get3A_30] : memref<1x128xf32, #tpu.memory_space<vmem>>, vector<1x128xf32>
    %add3A_32 = vector.broadcast %get3A_31 : vector<1x128xf32> to vector<1000x128xf32>
    %add3A_33 = arith.addf %dot_general3A_28, %add3A_32 : vector<1000x128xf32>
    %swap3A = arith.constant 0 : index
    %swap3A_34 = arith.constant 0 : index
    %swap3A_35 = vector.load %arg7[%swap3A, %swap3A_34] : memref<1000x128xf32, #tpu.memory_space<vmem>>, vector<1000x128xf32>
    tpu.vector_store %arg7[%swap3A, %swap3A_34], %add3A_33 {strides = array<i32>} : memref<1000x128xf32, #tpu.memory_space<vmem>>, vector<1000x128xf32>,
    return
  }
  func.func @transform_0(%arg0: i32) -> (i32, i32) {
    %c0_i32 = arith.constant 0 : i32
    %c0_i32_0 = arith.constant 0 : i32
    return %arg0, %c0_i32 : i32, i32
  }
  func.func @transform_1(%arg0: i32) -> (i32, i32, i32) {
    %c0_i32 = arith.constant 0 : i32
    %c0_i32_0 = arith.constant 0 : i32
    %c0_i32_1 = arith.constant 0 : i32
    return %c0_i32, %arg0, %c0_i32_0 : i32, i32, i32
  }
  func.func @transform_2(%arg0: i32) -> (i32, i32) {
    %c0_i32 = arith.constant 0 : i32
    %c0_i32_0 = arith.constant 0 : i32
    %c0_i32_1 = arith.constant 0 : i32
    return %c0_i32, %c0_i32_0 : i32, i32
  }
  func.func @transform_3(%arg0: i32) -> (i32, i32) {
    %c0_i32 = arith.constant 0 : i32
    %c0_i32_0 = arith.constant 0 : i32
    %c0_i32_1 = arith.constant 0 : i32
    return %c0_i32, %c0_i32_0 : i32, i32
  }
  func.func @transform_4(%arg0: i32) -> (i32, i32) {
    %c0_i32 = arith.constant 0 : i32
    %c0_i32_0 = arith.constant 0 : i32
    %c0_i32_1 = arith.constant 0 : i32
    return %c0_i32, %c0_i32_0 : i32, i32
  }
  func.func @transform_5(%arg0: i32) -> (i32, i32) {
    %c0_i32 = arith.constant 0 : i32
    %c0_i32_0 = arith.constant 0 : i32
    %c0_i32_1 = arith.constant 0 : i32
    return %c0_i32, %c0_i32_0 : i32, i32
  }
  func.func @transform_6(%arg0: i32) -> (i32, i32) {
    %c0_i32 = arith.constant 0 : i32
    %c0_i32_0 = arith.constant 0 : i32
    return %arg0, %c0_i32 : i32, i32
  }
}

</mosaic_0001>

<sc_bundles>
// kernel: kernel.4.cloned.1.call-start
scs
__scs_entry_jumppad:
0x0: {  	(pc) =	sbr.rel $0x88, $3  }
0x1: {  	(tag) =	ssettag $0x0;
	lr =	simm.s32 $0x1  }
0x2: {  	[smem:$0x3F9A] =	sst lr;
	_ =	strace $0xD0000000  }
0x3: {  	_ = 	snop  }
0x4: {  	_ = 	snop  }
0x5: {  	_ = 	snop  }
0x6: {  	_ = 	snop  }
0x7: {  	_ = 	snop  }
__scs_overlays_trampoline_lowered:
0x8: {  	[smem:$0x3FA9] =	sst s0  }
0x9: {  	[smem:$0x3FAA] =	sst s1  }
0xa: {  	[smem:$0x3FAB] =	sst s2  }
0xb: {  	[smem:$0x3FAC] =	sst s3  }
0xc: {  	[smem:$0x3FAD] =	sst s4  }
0xd: {  	[smem:$0x3FAE] =	sst s5  }
0xe: {  	[smem:$0x3FAF] =	sst s6  }
0xf: {  	[smem:$0x3FB0] =	sst s7  }
0x10: {  	[smem:$0x3FB1] =	sst s8  }
0x11: {  	[smem:$0x3FB2] =	sst s9;
	s0 =	simm.s32 @!p0 $0x0  }
0x12: {  	s1 =	sld [smem:$0x3F98];
	s0 =	simm.s32 @p0 $0x1  }
0x13: {  	[smem:$0x3FB3] =	sst s0;
	s0 =	simm.s32 @!p1 $0x0  }
0x14: {  	s2 =	sld [smem:$0x3F97];
	s0 =	simm.s32 @p1 $0x1  }
0x15: {  	[smem:$0x3FB4] =	sst s0;
	s0 =	simm.s32 @!p2 $0x0  }
0x16: {  	s3 =	sld [smem:$0x3FDB];
	s0 =	simm.s32 @p2 $0x1  }
0x17: {  	s4 =	simm.s32 $0x1BF5;
	[smem:$0x3FB6] =	sst s0  }
0x18: {  	s0 =	sld [smem:$0x3F99];
	_ =	swait.ge [sflag:s4], $0x0  }
0x19: {  	s7 =	sld [smem:$0x3F9A]  }
0x1a: {  	s8 =	sadd.s32 $0xFFFFE003, lr  }
0x1b: {  	s9 =	sadd.s32 $0xFFFFFEF7, lr;
	s5 =	simm.s32 $0xFFFFFFFF;
	p2 =	slt.u32 s8, $0xFFFFF086  }
0x1c: {  	p1 =	slt.u32 s9, $0xF7A;
	s5 =	simm.s32 @!p2 $0x0  }
0x1d: {  	s5 =	simm.s32 @p1 $0x1;
	p0 =	seq.s32 s7, s2  }
0x1e: {  	s7 =	smul.u32 @!p0 $0xF7A, s2;
	p2 =	seq.s32 @!p0 s5, $0x0  }
0x1f: {  	s9 =	smul.u32 $0xF7A, s1;
	s8 =	simm.s32 @!p0 $0x1BF5;
	p2 =	por !p2, p0  }
0x20: {  	[sflag:s8] =	ssyncset.s32 @!p0 $0xFFFFF086;
	s6 =	sadd.s32 @!p0 s3, s7;
	s7 =	simm.s32 @!p0 $0x108  }
0x21: {  	s3 =	sadd.s32 s3, s9;
	s6 =	sadd.s32 @!p0 $0x88, s6;
	s7 =	simm.s32 @p2 $0x1082  }
0x22: {  	[simem:s7], [sflag:s8] =	dma.local @!p0 [hbm:s6], $0xF7A  }
0x23: {  	s9 =	sor.u32 $0xD0000000, s2;
	s6 =	simm.s32 $0x108;
	_ =	swait.ge @!p0 [sflag:s8], $0x0  }
0x24: {  	s3 =	sadd.s32 $0x88, s3;
	s6 =	simm.s32 @!p1 $0x1082;
	[sflag:s4] =	ssyncset.s32 $0xFFFFF086  }
0x25: {  	[simem:s6], [sflag:s4] =	dma.local [hbm:s3], $0xF7A  }
0x26: {  	[smem:$0x3F9A] =	sst s1;
	(tag) =	ssettag s2;
	_ =	strace s9  }
0x27: {  	s1 =	sld [smem:$0x3FAA]  }
0x28: {  	s2 =	sld [smem:$0x3FAB]  }
0x29: {  	s4 =	sld [smem:$0x3FAD]  }
0x2a: {  	p0 =	seq.s32 s5, $0x0;
	s5 =	sld [smem:$0x3FAE]  }
0x2b: {  	s6 =	sld [smem:$0x3FAF]  }
0x2c: {  	s7 =	sld [smem:$0x3FB0]  }
0x2d: {  	s3 =	simm.s32 $0x108;
	s8 =	sld [smem:$0x3FB1]  }
0x2e: {  	s3 =	simm.s32 @!p0 $0x1082;
	s9 =	sld [smem:$0x3FB2]  }
0x2f: {  	lr =	sadd.s32 s0, s3;
	s0 =	sld [smem:$0x3FA9]  }
0x30: {  	s3 =	sld [smem:$0x3FAC]  }
0x31: {  	[smem:$0x3FB5] =	sst s10  }
0x32: {  	s10 =	sld [smem:$0x3FB3];
	_ =	sdelay $0x3  }
0x33: {  	p0 =	seq.s32 s10, $0x1;
	s10 =	sld [smem:$0x3FB5];
	_ =	sdelay $0x3  }
0x34: {  	[smem:$0x3FB5] =	sst s10  }
0x35: {  	s10 =	sld [smem:$0x3FB4];
	_ =	sdelay $0x3  }
0x36: {  	p1 =	seq.s32 s10, $0x1;
	s10 =	sld [smem:$0x3FB5];
	_ =	sdelay $0x3  }
0x37: {  	[smem:$0x3FB5] =	sst s10  }
0x38: {  	s10 =	sld [smem:$0x3FB6]  }
0x39: {  	_ = 	snop;
	(pc) =	sbr.ind lr, $3  }
0x3a: {  	_ = 	snop  }
0x3b: {  	_ = 	snop  }
0x3c: {  	p2 =	seq.s32 s10, $0x1;
	s10 =	sld [smem:$0x3FB5]  }
0x3d: {  	_ =	shalt  }
0x3e: {  	_ =	shalt  }
0x3f: {  	_ =	shalt  }
0x40: {  	_ =	shalt  }
0x41: {  	_ =	shalt  }
0x42: {  	_ =	shalt  }
0x43: {  	_ =	shalt  }
0x44: {  	_ =	shalt  }
0x45: {  	_ =	shalt  }
0x46: {  	_ =	shalt  }
0x47: {  	_ =	shalt  }
0x48: {  	_ =	shalt  }
0x49: {  	_ =	shalt  }
0x4a: {  	_ =	shalt  }
0x4b: {  	_ =	shalt  }
0x4c: {  	_ =	shalt  }
0x4d: {  	_ =	shalt  }
0x4e: {  	_ =	shalt  }
0x4f: {  	_ =	shalt  }
0x50: {  	_ =	shalt  }
0x51: {  	_ =	shalt  }
0x52: {  	_ =	shalt  }
0x53: {  	_ =	shalt  }
0x54: {  	_ =	shalt  }
0x55: {  	_ =	shalt  }
0x56: {  	_ =	shalt  }
0x57: {  	_ =	shalt  }
0x58: {  	_ =	shalt  }
0x59: {  	_ =	shalt  }
0x5a: {  	_ =	shalt  }
0x5b: {  	_ =	shalt  }
0x5c: {  	_ =	shalt  }
0x5d: {  	_ =	shalt  }
0x5e: {  	_ =	shalt  }
0x5f: {  	_ =	shalt  }
0x60: {  	_ =	shalt  }
0x61: {  	_ =	shalt  }
0x62: {  	_ =	shalt  }
0x63: {  	_ =	shalt  }
0x64: {  	_ =	shalt  }
0x65: {  	_ =	shalt  }
0x66: {  	_ =	shalt  }
0x67: {  	_ =	shalt  }
0x68: {  	_ =	shalt  }
0x69: {  	_ =	shalt  }
0x6a: {  	_ =	shalt  }
0x6b: {  	_ =	shalt  }
0x6c: {  	_ =	shalt  }
0x6d: {  	_ =	shalt  }
0x6e: {  	_ =	shalt  }
0x6f: {  	_ =	shalt  }
0x70: {  	_ =	shalt  }
0x71: {  	_ =	shalt  }
0x72: {  	_ =	shalt  }
0x73: {  	_ =	shalt  }
0x74: {  	_ =	shalt  }
0x75: {  	_ =	shalt  }
0x76: {  	_ =	shalt  }
0x77: {  	_ =	shalt  }
0x78: {  	_ =	shalt  }
0x79: {  	_ =	shalt  }
0x7a: {  	_ =	shalt  }
0x7b: {  	_ =	shalt  }
0x7c: {  	_ =	shalt  }
0x7d: {  	_ =	shalt  }
0x7e: {  	_ =	shalt  }
0x7f: {  	_ =	shalt  }
0x80: {  	_ =	shalt  }
0x81: {  	_ =	shalt  }
0x82: {  	_ =	shalt  }
0x83: {  	_ =	shalt  }
0x84: {  	_ =	shalt  }
0x85: {  	_ =	shalt  }
0x86: {  	_ =	shalt  }
0x87: {  	_ =	shalt  }
.Lfunc_end0:
.L_simem_size_0:
called_computation_lowered:
.L_overlay_start_0:
0x88: {  	s2 =	sld [smem:$0x3FD9]  }
0x89: {  	s3 =	sld [smem:$0x3FFE];
	_ =	sdelay $0x1  }
0x8a: {  	s1 =	srdreg.scid  }
0x8b: {  	s0 =	sand.u32 $0x1, s1  }
0x8c: {  	s17 =	sshll.u32 s0, $0xA;
	s2 =	sadd.s32 s3, s2  }
0x8d: {  	s2 =	sadd.s32 s2, s17  }
0x8e: {  	[smem:$0x3FC1] =	sst s2  }
0x8f: {  	_ = 	snop  }
0x90: {  	s2 =	sld [smem:$0x3FC9]  }
0x91: {  	s18 =	sld [smem:$0x3FC7]  }
0x92: {  	s4 =	sld [smem:$0x3FD0];
	(tm) =	ssettm $0x1  }
0x93: {  	s5 =	sld [smem:$0x3FFB];
	_ =	sdelay $0x3  }
0x94: {  	_ =	strace s5  }
0x95: {  	s5 =	sld [smem:$0x3FFC];
	_ =	sdelay $0x3  }
0x96: {  	_ =	strace s5  }
0x97: {  	s5 =	sld [smem:$0x3FFD];
	_ =	sdelay $0x3  }
0x98: {  	_ =	strace s5  }
0x99: {  	_ =	strace $0x8FFFFFFF  }
0x9a: {  	s19 =	sld [smem:$0x3FDB];
	_ =	sdelay $0x1  }
0x9b: {  	s6 =	simm.s32 $_scs_section_size  }
0x9c: {  	s7 =	simm.s32 $_size__tile_overlayer_lowered;
	s8 =	simm.s32 $_tile_overlayer_lowered  }
0x9d: {  	s22 =	simm.s32 $0x1BFF;
	s21 =	sshll.u32 s8, $0x1;
	s5 =	sadd.s32 s6, s19  }
0x9e: {  	s9 =	simm.s32 $0x0;
	s20 =	sshll.u32 s7, $0x1;
	s7 =	sadd.s32 s21, s5  }
0x9f: {  	[timem:s9], [sflag:s22] =	dma.local [hbm:s7], s20  }
0xa0: {  	_ =	swait.ge [sflag:s22], s20  }
0xa1: {  	s6 =	ssub.s32 $0x0, s20;
	[sflag:s22] =	ssyncset.done $0x0  }
0xa2: {  	[sflag:s22] =	ssyncadd.s32 s6;
	_ =	sdelay $0x1  }
0xa3: {  	s23 =	simm.s32 $0x1B8B  }
0xa4: {  	_ =	swait.ge [sflag:s23], $0x1  }
0xa5: {  	[sflag:s23] =	ssyncset.done $0x0  }
0xa6: {  	s25 =	simm.s32 $0x1B8E;
	s24 =	sld [smem:$0x3FFE];
	[sflag:s23] =	ssyncadd.s32 $0xFFFFFFFF  }
0xa7: {  	s26 =	simm.s32 $execute0_lowered;
	[smem:$0x3FD2] =	sst s25  }
0xa8: {  	s7 =	sshll.u32 s26, $0x1;
	_ =	strace $0x80000046;
	[dreg:$0x1] =	wrdreg $0xFFFFFFFF  }
0xa9: {  	s28 =	simm.s32 $_size_execute0_lowered;
	s5 =	sadd.s32 s5, s7;
	[dreg:$0x0] =	wrdreg $0x0  }
0xaa: {  	s7 =	sshll.u32 s28, $0x1;
	[dreg:$0x2] =	wrdreg s5  }
0xab: {  	[dreg:$0x3] =	wrdreg s7  }
0xac: {  	[dreg:$0x4] =	wrdreg $0xC0  }
0xad: {  	_ =	task [dreg:s9], $0x5FFFF  }
0xae: {  	[dreg:$0x1] =	wrdreg $0xFFFFFFFF  }
0xaf: {  	[dreg:$0x0] =	wrdreg $0x60  }
0xb0: {  	[dreg:$0x2] =	wrdreg s2  }
0xb1: {  	[dreg:$0x3] =	wrdreg s24  }
0xb2: {  	[dreg:$0x4] =	wrdreg s4  }
0xb3: {  	[dreg:$0x5] =	wrdreg s18  }
0xb4: {  	[dreg:$0x6] =	wrdreg $0xC1800  }
0xb5: {  	[dreg:$0x7] =	wrdreg $0x9  }
0xb6: {  	_ =	task.clear_ibuf [dreg:s9], $0x8FFFF;
	_ =	strace $0x90000046  }
0xb7: {  	s29 =	simm.s32 $0x9;
	_ =	strace $0x80000048  }
0xb8: {  	_ =	swait.ge [sflag:s29], $0x1  }
0xb9: {  	[sflag:s29] =	ssyncadd.s32 $0xFFFFFFFF  }
0xba: {  	_ =	strace $0x90000048  }
0xbb: {  	_ =	sfence  }
0xbc: {  	s30 =	sld [smem:$0x0];
	_ =	sdelay $0x2  }
0xbd: {  	s31 =	sshll.u32 s1, $0xD;
	s1 =	sshrl.u32 s1, $0x2  }
0xbe: {  	s3 =	sand.u32 $0x4000, s31;
	s1 =	sadd.s32 s1, s30  }
0xbf: {  	s0 =	sor.u32 s3, s0;
	s1 =	sshll.u32 s1, $0x11  }
0xc0: {  	s0 =	sor.u32 s1, s0  }
0xc1: {  	s0 =	sadd.s32 $0x8F2B, s0  }
0xc2: {  	[sflag:s0] =	ssyncadd.remote.s32 $0x1  }
0xc3: {  	_ =	sfence.sel $0xFFFF  }
0xc4: {  	[dreg:$0x0] =	wrdreg $0xFFFFFFFF;
	(pc) =	sbr.abs _section_cstart, $3  }
0xc5: {  	[dreg:$0x1] =	wrdreg $0xFFFFFFFF  }
0xc6: {  	_ =	task.clear_ibuf [dreg:s9], $0x2FFFF;
	_ =	strace $0x9FFFFFFF  }
0xc7: {  	(tm) =	ssettm $0x7FFFFFFF  }
tec
execute0_lowered:
.L_overlay_start_1:
0x0: {  	(tag) =	ssettag $0x1  }
0x1: {  	s1 =	rddreg [dreg:$0x0]  }
0x2: {  	s3 =	rddreg [dreg:$0x1]  }
0x3: {  	s2 =	rddreg [dreg:$0x2]  }
0x4: {  	s0 =	srdreg.scid;
	s26 =	stileid.u32  }
0x5: {  	s4 =	rddreg [dreg:$0x3];
	s7 =	sand.u32 $0x1, s0;
	s11 =	smul.u32 $0x14000, s26  }
0x6: {  	s8 =	sshll.u32 s26, $0x3;
	s20 =	sshllo.u32 s26, $0x3;
	s9 =	smul.u32 $0x138800, s7  }
0x7: {  	s5 =	rddreg [dreg:$0x4];
	s10 =	sor.u32 $0x1, s8;
	s23 =	smul.u32 $0x2800, s20  }
0x8: {  	s6 =	simm.s32 $0x0;
	s12 =	sor.u32 $0x2, s8;
	s13 =	smul.u32 $0x2800, s10  }
0x9: {  	s28 =	simm.s32 $0x4;
	s14 =	sor.u32 $0x3, s8;
	s15 =	smul.u32 $0x2800, s12  }
0xa: {  	s29 =	simm.s32 $0x3;
	s18 =	sor.u32 $0x4, s8;
	s17 =	smul.u32 $0x2800, s14  }
0xb: {  	s30 =	simm.s32 $0x5;
	s19 =	sor.u32 $0x5, s8;
	s25 =	smul.u32 $0x2800, s18  }
0xc: {  	s31 =	simm.s32 $0x0;
	s8 =	sor.u32 $0x6, s8;
	s21 =	smul.u32 $0x2800, s19  }
0xd: {  	[smem:$0x7FF] =	sst s6;
	p2 =	seq.s32 s26, $0xF;
	s22 =	smul.u32 $0x2800, s8  }
0xe: {  	_ =	strace $0x80000047;
	s0 =	ssub.s32 $0x2, s7;
	s10 =	smul.u32 $0xA000, s10  }
0xf: {  	p1 =	sgt.u32 s20, $0x7C;
	s16 =	sshrl.u32 s0, $0x1;
	s14 =	smul.u32 $0xA000, s14  }
0x10: {  	p0 =	sgt.u32 s8, $0x7C;
	s8 =	smul.u32 $0xA000, s8;
	s0 =	ssub.s32 s0, s16  }
0x11: {  	s11 =	sadd.s32 s11, s9;
	s13 =	sadd.s32 s9, s13;
	s15 =	sadd.s32 s9, s15  }
0x12: {  	s17 =	sadd.s32 s9, s17;
	s16 =	sadd.s32 s9, s25;
	s21 =	sadd.s32 s9, s21  }
0x13: {  	s22 =	sadd.s32 s9, s22;
	s9 =	sadd.s32 s9, s23;
	s23 =	sadd.s32 $0x14600, s3  }
0x14: {  	s11 =	sshrl.u32 s11, $0x3;
	s10 =	sshrl.u32 s10, $0x2;
	s0 =	smax.u32 s0, $0x1  }
0x15: {  	s11 =	sadd.s32 s23, s11;
	s13 =	sshrl.u32 s13, $0x3;
	s24 =	sshrl.u32 s15, $0x3  }
0x16: {  	s25 =	sshrl.u32 s17, $0x3;
	s17 =	sshrl.u32 s16, $0x3;
	s21 =	sshrl.u32 s21, $0x3  }
0x17: {  	s22 =	sshrl.u32 s22, $0x3;
	s9 =	sshrl.u32 s9, $0x3;
	[dreg:$0x17] =	wrdreg s0  }
0x18: {  	s16 =	sadd.s32 $0xA00, s3;
	[dreg:$0x6] =	wrdreg s11;
	s11 =	sadd.s32 s23, s13  }
0x19: {  	s0 =	simm.s32 $0x8180;
	s15 =	sadd.s32 s23, s25;
	[dreg:$0x7] =	wrdreg s11  }
0x1a: {  	s9 =	sadd.s32 s23, s9;
	s25 =	smul.u32 $0x50000, s26;
	[dreg:$0x9] =	wrdreg s15  }
0x1b: {  	s13 =	smul.u32 $0xA000, s12;
	s11 =	sadd.s32 s23, s24;
	[dreg:$0xd] =	wrdreg s9  }
0x1c: {  	s24 =	sadd.s32 s23, s22;
	s15 =	sadd.s32 $0xA800, s3;
	[dreg:$0x8] =	wrdreg s11  }
0x1d: {  	s22 =	sadd.s32 s10, s5;
	s11 =	sadd.s32 s23, s17;
	[dreg:$0xc] =	wrdreg s24  }
0x1e: {  	s9 =	sshrl.u32 s25, $0x2;
	[dreg:$0xf] =	wrdreg s22;
	s24 =	sshrl.u32 s14, $0x2  }
0x1f: {  	s25 =	smul.u32 $0xA000, s18;
	s14 =	sshrl.u32 s8, $0x2;
	s8 =	simm.s32 $0x100  }
0x20: {  	[dreg:$0xa] =	wrdreg s11;
	s11 =	sadd.s32 s23, s21;
	s21 =	sadd.s32 s9, s5  }
0x21: {  	s23 =	sshrl.u32 s13, $0x2;
	s10 =	sadd.s32 s24, s5;
	s13 =	smul.u32 $0xA000, s20  }
0x22: {  	s24 =	sadd.s32 s14, s5;
	s9 =	simm.s32 $0x8;
	[dreg:$0xb] =	wrdreg s11  }
0x23: {  	s14 =	simm.s32 $0x6;
	s11 =	sshll.u32 s7, $0x4;
	[dreg:$0xe] =	wrdreg s21  }
0x24: {  	s3 =	sadd.s32 s23, s5;
	[dreg:$0x11] =	wrdreg s10;
	s12 =	sshrl.u32 s25, $0x2  }
0x25: {  	s10 =	simm.s32 $0x1;
	s17 =	sor.u32 s26, s11;
	[dreg:$0x10] =	wrdreg s3  }
0x26: {  	s11 =	smul.u32 $0xA000, s19;
	s7 =	sadd.s32 s12, s5;
	s18 =	sshrl.u32 s13, $0x2  }
0x27: {  	s12 =	simm.s32 $0x40;
	s13 =	simm.s32 $0xA180;
	s26 =	simm.s32 $0x7  }
0x28: {  	[dreg:$0x12] =	wrdreg s7;
	s19 =	sshll.u32 s17, $0x4;
	s25 =	sadd.s32 s18, s5  }
.Ltmp0:
0x29: {  	s21 =	sshll.u32 s17, $0xB;
	s20 =	sadd.s32 s15, s19;
	(pc) =	sbr.rel .LBB2_1-.Ltmp0, $4  }
0x2a: {  	s3 =	sshrl.u32 s11, $0x2;
	s22 =	sadd.s32 s16, s19;
	[dreg:$0x13] =	wrdreg s20  }
0x2b: {  	s7 =	sadd.s32 s2, s19;
	s11 =	simm.s32 $0x2;
	[dreg:$0x14] =	wrdreg s22  }
0x2c: {  	s23 =	sadd.s32 s3, s5;
	[dreg:$0x15] =	wrdreg s7;
	s3 =	sadd.s32 s4, s21  }
0x2d: {  	v0 =	vimm.f32 $0.0e+00;
	s7 =	simm.s32 $0x80;
	[dreg:$0x16] =	wrdreg s3;
	s3 =	simm.s32 $0x9  }
.LBB2_17:
0x2e: {  	s18 =	stileid.u32;
	[bflag:$0x0] =	sbarrier.arrive $0xFFFF  }
0x2f: {  	s18 =	sshll.u32 s18, $0x6;
	s19 =	rddreg [dreg:$0xe]  }
0x30: {  	s20 =	rddreg [dreg:$0x6];
	s18 =	sor.u32 $0x1C09, s18;
	s19 =	sshrl.u32 s19, $0x3  }
0x31: {  	[hbm:s20], [sflag:s18] =	dma.local [spmem:s19], $0x500  }
0x32: {  	_ =	swait.ge [sflag:s3], $0x500  }
0x33: {  	[sflag:s3] =	ssyncset.done $0x0;
	s21 =	rddreg [dreg:$0xf]  }
0x34: {  	s22 =	rddreg [dreg:$0x7];
	[sflag:s3] =	ssyncadd.s32 $0xFFFFFB00;
	s19 =	sshrl.u32 s21, $0x3  }
0x35: {  	[hbm:s22], [sflag:s18] =	dma.local [spmem:s19], $0x500  }
0x36: {  	_ =	swait.ge [sflag:s3], $0x500  }
0x37: {  	[sflag:s3] =	ssyncset.done $0x0;
	s21 =	rddreg [dreg:$0x10]  }
0x38: {  	s22 =	rddreg [dreg:$0x8];
	[sflag:s3] =	ssyncadd.s32 $0xFFFFFB00;
	s19 =	sshrl.u32 s21, $0x3  }
0x39: {  	[hbm:s22], [sflag:s18] =	dma.local [spmem:s19], $0x500  }
0x3a: {  	_ =	swait.ge [sflag:s3], $0x500  }
0x3b: {  	[sflag:s3] =	ssyncset.done $0x0;
	s21 =	rddreg [dreg:$0x11]  }
0x3c: {  	s22 =	rddreg [dreg:$0x9];
	[sflag:s3] =	ssyncadd.s32 $0xFFFFFB00;
	s19 =	sshrl.u32 s21, $0x3  }
0x3d: {  	[hbm:s22], [sflag:s18] =	dma.local [spmem:s19], $0x500  }
0x3e: {  	_ =	swait.ge [sflag:s3], $0x500  }
0x3f: {  	[sflag:s3] =	ssyncset.done $0x0;
	s20 =	rddreg [dreg:$0x12]  }
0x40: {  	s21 =	rddreg [dreg:$0xa];
	[sflag:s3] =	ssyncadd.s32 $0xFFFFFB00;
	s19 =	sshrl.u32 s20, $0x3  }
0x41: {  	[hbm:s21], [sflag:s18] =	dma.local [spmem:s19], $0x500  }
0x42: {  	_ =	swait.ge [sflag:s3], $0x500  }
0x43: {  	[sflag:s3] =	ssyncset.done $0x0  }
0x44: {  	s19 =	sshrl.u32 @!p2 s23, $0x3;
	s20 =	rddreg [dreg:$0xb];
	[sflag:s3] =	ssyncadd.s32 $0xFFFFFB00  }
0x45: {  	[hbm:s20], [sflag:s18] =	dma.local @!p2 [spmem:s19], $0x500  }
0x46: {  	s19 =	simm.s32 @!p2 $0x9  }
0x47: {  	_ =	swait.ge @!p2 [sflag:s19], $0x500  }
0x48: {  	[sflag:s19] =	ssyncset.done @!p2 $0x0  }
0x49: {  	s20 =	rddreg [dreg:$0xc];
	[sflag:s19] =	ssyncadd.s32 @!p2 $0xFFFFFB00;
	s19 =	sshrl.u32 @!p0 s24, $0x3  }
0x4a: {  	[hbm:s20], [sflag:s18] =	dma.local @!p0 [spmem:s19], $0x500  }
0x4b: {  	s19 =	simm.s32 @!p0 $0x9  }
0x4c: {  	_ =	swait.ge @!p0 [sflag:s19], $0x500  }
0x4d: {  	[sflag:s19] =	ssyncset.done @!p0 $0x0  }
0x4e: {  	s20 =	rddreg [dreg:$0xd];
	[sflag:s19] =	ssyncadd.s32 @!p0 $0xFFFFFB00;
	s19 =	sshrl.u32 @!p1 s25, $0x3  }
0x4f: {  	[hbm:s20], [sflag:s18] =	dma.local @!p1 [spmem:s19], $0x500  }
0x50: {  	s18 =	simm.s32 @!p1 $0x9  }
0x51: {  	_ =	swait.ge @!p1 [sflag:s18], $0x500  }
0x52: {  	s31 =	sadd.s32 $0x1, s31;
	s22 =	rddreg [dreg:$0x17]  }
0x53: {  	p3 =	sne.s32 s31, s22  }
.Ltmp1:
0x54: {  	_ = 	snop;
	(pc) =	sbr.rel @!p3 .LBB2_18-.Ltmp1, $3  }
0x55: {  	_ =	sdelay $0x1  }
0x56: {  	[sflag:s18] =	ssyncset.done @!p1 $0x0  }
0x57: {  	[sflag:s18] =	ssyncadd.s32 @!p1 $0xFFFFFB00  }
.LBB2_1:
0x58: {  	s18 =	simm.s32 $0x0;
	s19 =	simm.s32 $0x200  }
.LBB2_2:
0x59: {  	p3 =	sne.s32 s19, $0x9E00;
	[tilespmem:s18+$0x81F0] =	vst v0  }
0x5a: {  	[tilespmem:s18+$0x8180] =	vst v0  }
0x5b: {  	[tilespmem:s18+$0x8190] =	vst v0  }
.Ltmp2:
0x5c: {  	[tilespmem:s18+$0x81A0] =	vst v0;
	(pc) =	sbr.rel @p3 .LBB2_2-.Ltmp2, $4  }
0x5d: {  	[tilespmem:s18+$0x81B0] =	vst v0  }
0x5e: {  	[tilespmem:s18+$0x81C0] =	vst v0  }
0x5f: {  	[tilespmem:s18+$0x81D0] =	vst v0  }
0x60: {  	[tilespmem:s18+$0x81E0] =	vst v0;
	s18 =	sshra.s32 s19, $0x2;
	s19 =	sadd.s32 $0x200, s19  }
0x61: {  	[tilespmem:s18+$0x81F0] =	vst v0  }
0x62: {  	[tilespmem:s18+$0x8180] =	vst v0  }
0x63: {  	[tilespmem:s18+$0x8190] =	vst v0  }
0x64: {  	[tilespmem:s18+$0x81A0] =	vst v0  }
0x65: {  	[tilespmem:s18+$0x81B0] =	vst v0  }
0x66: {  	[tilespmem:s18+$0x81C0] =	vst v0  }
0x67: {  	[tilespmem:s18+$0x81D0] =	vst v0  }
0x68: {  	[tilespmem:s18+$0x81E0] =	vst v0;
	s19 =	rddreg [dreg:$0xe]  }
0x69: {  	[spmem:s19] =	stream.linear.scatter [tilespmem:s0], [sflag:$0x9], $0x2800, $0x38;
	[tilespmem:$0x1FA00] =	vst v63  }
0x6a: {  	_ =	swait.ge [sflag:s3], $0x2800  }
0x6b: {  	[sflag:s3] =	ssyncset.done $0x0  }
0x6c: {  	s20 =	rddreg [dreg:$0xf];
	[sflag:s3] =	ssyncadd.s32 $0xFFFFD800  }
0x6d: {  	[spmem:s20] =	stream.linear.scatter [tilespmem:s0], [sflag:$0x9], $0x2800, $0x38;
	[tilespmem:$0x1FA00] =	vst v63  }
0x6e: {  	_ =	swait.ge [sflag:s3], $0x2800  }
0x6f: {  	[sflag:s3] =	ssyncset.done $0x0  }
0x70: {  	s21 =	rddreg [dreg:$0x10];
	[sflag:s3] =	ssyncadd.s32 $0xFFFFD800  }
0x71: {  	[spmem:s21] =	stream.linear.scatter [tilespmem:s0], [sflag:$0x9], $0x2800, $0x38;
	[tilespmem:$0x1FA00] =	vst v63  }
0x72: {  	_ =	swait.ge [sflag:s3], $0x2800  }
0x73: {  	[sflag:s3] =	ssyncset.done $0x0  }
0x74: {  	s22 =	rddreg [dreg:$0x11];
	[sflag:s3] =	ssyncadd.s32 $0xFFFFD800  }
0x75: {  	[spmem:s22] =	stream.linear.scatter [tilespmem:s0], [sflag:$0x9], $0x2800, $0x38;
	[tilespmem:$0x1FA00] =	vst v63  }
0x76: {  	_ =	swait.ge [sflag:s3], $0x2800  }
0x77: {  	[sflag:s3] =	ssyncset.done $0x0  }
0x78: {  	s19 =	rddreg [dreg:$0x12];
	[sflag:s3] =	ssyncadd.s32 $0xFFFFD800  }
0x79: {  	[spmem:s19] =	stream.linear.scatter [tilespmem:s0], [sflag:$0x9], $0x2800, $0x38;
	[tilespmem:$0x1FA00] =	vst v63  }
0x7a: {  	_ =	swait.ge [sflag:s3], $0x2800  }
0x7b: {  	[sflag:s3] =	ssyncset.done $0x0  }
0x7c: {  	s18 =	simm.s32 @!p2 $0x8180;
	[sflag:s3] =	ssyncadd.s32 $0xFFFFD800  }
0x7d: {  	[spmem:s23] =	stream.linear.scatter @!p2 [tilespmem:s18], [sflag:$0x9], $0x2800, $0x38;
	[tilespmem:$0x1FA00] =	vst v63  }
0x7e: {  	s18 =	simm.s32 @!p2 $0x9  }
0x7f: {  	_ =	swait.ge @!p2 [sflag:s18], $0x2800  }
0x80: {  	[sflag:s18] =	ssyncset.done @!p2 $0x0  }
0x81: {  	[sflag:s18] =	ssyncadd.s32 @!p2 $0xFFFFD800;
	s18 =	simm.s32 @!p0 $0x8180  }
0x82: {  	[spmem:s24] =	stream.linear.scatter @!p0 [tilespmem:s18], [sflag:$0x9], $0x2800, $0x38;
	[tilespmem:$0x1FA00] =	vst v63  }
0x83: {  	s18 =	simm.s32 @!p0 $0x9  }
0x84: {  	_ =	swait.ge @!p0 [sflag:s18], $0x2800  }
0x85: {  	[sflag:s18] =	ssyncset.done @!p0 $0x0  }
0x86: {  	[sflag:s18] =	ssyncadd.s32 @!p0 $0xFFFFD800;
	s18 =	simm.s32 @!p1 $0x8180  }
0x87: {  	[spmem:s25] =	stream.linear.scatter @!p1 [tilespmem:s18], [sflag:$0x9], $0x2800, $0x38;
	[tilespmem:$0x1FA00] =	vst v63  }
0x88: {  	s18 =	simm.s32 @!p1 $0x9  }
0x89: {  	_ =	swait.ge @!p1 [sflag:s18], $0x2800  }
0x8a: {  	[sflag:s18] =	ssyncset.done @!p1 $0x0  }
0x8b: {  	[sflag:s18] =	ssyncadd.s32 @!p1 $0xFFFFD800  }
0x8c: {  	[bflag:$0x0] =	sbarrier.arrive $0xFFFF  }
0x8d: {  	s18 =	simm.s32 $0x0;
	s19 =	rddreg [dreg:$0x13]  }
0x8e: {  	[tilespmem:s18], [sflag:$0x1] =	stream.linear.gather [hbm4b:s19+s18], $0x80, $0x38;
	[tilespmem:$0x1FA00] =	vst v63  }
0x8f: {  	s20 =	rddreg [dreg:$0x14]  }
0x90: {  	[tilespmem:s7], [sflag:$0x2] =	stream.linear.gather [hbm4b:s20+s18], $0x80, $0x38;
	[tilespmem:$0x1FA00] =	vst v63  }
.Ltmp3:
0x91: {  	_ = 	snop;
	(pc) =	sbr.rel .LBB2_4-.Ltmp3, $4  }
0x92: {  	s21 =	rddreg [dreg:$0x15]  }
0x93: {  	[tilespmem:s8], [sflag:$0x3] =	stream.linear.gather [hbm4b:s21+s18], $0x80, $0x38;
	[tilespmem:$0x1FA00] =	vst v63  }
0x94: {  	s22 =	rddreg [dreg:$0x16];
	s20 =	simm.s32 $0x180  }
0x95: {  	[tilespmem:s20], [sflag:$0x4] =	stream.linear.gather [hbm4b:s22+s18], $0x4000, $0x38;
	[tilespmem:$0x1FA00] =	vst v63  }
.LBB2_14:
0x96: {  	v13 =	vmax.f32 v13, $0.0e+00;
	v6 =	vadd.f32 v6, v11;
	v63 =	vld [tilespmem:s19+$0x81F0]  }
0x97: {  	v12 =	vmax.f32 v12, $0.0e+00;
	v5 =	vadd.f32 v5, v10;
	[tilespmem:s19+$0x8180] =	vst v13  }
0x98: {  	v4 =	vadd.f32 v4, v9;
	[tilespmem:s19+$0x8190] =	vst v12;
	v6 =	vmax.f32 v6, $0.0e+00  }
0x99: {  	v3 =	vadd.f32 v3, v8;
	v5 =	vmax.f32 v5, $0.0e+00;
	[tilespmem:s19+$0x81A0] =	vst v6  }
0x9a: {  	v2 =	vadd.f32 v2, v7;
	v4 =	vmax.f32 v4, $0.0e+00;
	[tilespmem:s19+$0x81B0] =	vst v5  }
0x9b: {  	v3 =	vmax.f32 v3, $0.0e+00;
	[tilespmem:s19+$0x81C0] =	vst v4;
	v1 =	vadd.f32 v1, v63  }
0x9c: {  	v2 =	vmax.f32 v2, $0.0e+00;
	[tilespmem:s19+$0x81D0] =	vst v3  }
0x9d: {  	[tilespmem:s19+$0x81E0] =	vst v2;
	v1 =	vmax.f32 v1, $0.0e+00  }
0x9e: {  	[tilespmem:s19+$0x81F0] =	vst v1  }
.LBB2_15:
0x9f: {  	_ =	swait.ge [sflag:s29], $0x80  }
0xa0: {  	[sflag:s29] =	ssyncset.done $0x0  }
0xa1: {  	[sflag:s29] =	ssyncadd.s32 $0xFFFFFF80  }
0xa2: {  	[spmem:s5] =	stream.indirect.scatter.add.f32 [tilespmem:s0], [sflag:$0x8], $0x80, s8, s7, $0xb8;
	[tilespmem:$0x1FA00] =	vst v63  }
.LBB2_16:
0xa3: {  	s18 =	sadd.s32 $0x1, s18  }
0xa4: {  	p3 =	sne.s32 s18, $0x50  }
.Ltmp4:
0xa5: {  	_ = 	snop;
	(pc) =	sbr.rel @!p3 .LBB2_17-.Ltmp4, $1  }
0xa6: {  	_ =	sdelay $0x3  }
.LBB2_4:
0xa7: {  	s19 =	sshll.u32 s18, $0x5  }
0xa8: {  	p3 =	seq.s32 s18, $0x0;
	s19 =	sor.u32 s17, s19  }
0xa9: {  	p4 =	sgt.u32 @!p3 s19, $0x9E3  }
0xaa: {  	p4 =	por p3, p4  }
.Ltmp5:
0xab: {  	_ = 	snop;
	(pc) =	sbr.rel @p4 .LBB2_7-.Ltmp5, $2  }
0xac: {  	_ =	sdelay $0x2  }
0xad: {  	p3 =	sgt.u32 s19, $0x9C3  }
.Ltmp6:
0xae: {  	(pc) =	sbr.rel @p3 .LBB2_16-.Ltmp6, $4  }
0xaf: {  	_ = 	snop  }
0xb0: {  	_ =	swait.ge [sflag:s9], $0x4000  }
0xb1: {  	[sflag:s9] =	ssyncset.done $0x0  }
0xb2: {  	[sflag:s9] =	ssyncadd.s32 $0xFFFFC000  }
.Ltmp7:
0xb3: {  	(pc) =	sbr.rel .LBB2_8-.Ltmp7, $4  }
0xb4: {  	_ = 	snop  }
0xb5: {  	s20 =	sshll.u32 s19, $0x4  }
0xb6: {  	s20 =	sadd.s32 s2, s20  }
0xb7: {  	[tilespmem:s8], [sflag:$0x3] =	stream.linear.gather [hbm4b:s20+s6], $0x80, $0x38;
	[tilespmem:$0x1FA00] =	vst v63  }
.LBB2_7:
.Ltmp8:
0xb8: {  	(pc) =	sbr.rel @p3 .LBB2_16-.Ltmp8, $1  }
0xb9: {  	_ =	sdelay $0x3  }
.LBB2_8:
0xba: {  	_ =	swait.ge [sflag:s10], $0x80  }
0xbb: {  	[sflag:s10] =	ssyncset.done $0x0  }
0xbc: {  	[sflag:s10] =	ssyncadd.s32 $0xFFFFFF80  }
0xbd: {  	_ =	swait.ge [sflag:s11], $0x80  }
0xbe: {  	[sflag:s11] =	ssyncset.done $0x0  }
0xbf: {  	[sflag:s11] =	ssyncadd.s32 $0xFFFFFF80  }
0xc0: {  	[tilespmem:s0], [sflag:$0x6] =	stream.indirect.gather [hbm4b:s1+s12], $0x80, s6, s12, $0xb8;
	[tilespmem:$0x1FA00] =	vst v63  }
0xc1: {  	_ = 	snop  }
0xc2: {  	[tilespmem:s13], [sflag:$0x7] =	stream.indirect.gather [hbm4b:s1+s12], $0x80, s7, s12, $0xb8;
	[tilespmem:$0x1FA00] =	vst v63  }
0xc3: {  	_ =	swait.ge [sflag:s14], $0x2000  }
0xc4: {  	[sflag:s14] =	ssyncset.done $0x0  }
0xc5: {  	[sflag:s14] =	ssyncadd.s32 $0xFFFFE000  }
0xc6: {  	s20 =	sadd.s32 $0x20, s19;
	p3 =	sgt.u32 s19, $0x9A3;
	_ =	swait.ge [sflag:s26], $0x2000  }
0xc7: {  	s21 =	sshll.u32 @!p3 s20, $0x4;
	[sflag:s26] =	ssyncset.done $0x0  }
0xc8: {  	s19 =	simm.s32 @!p3 $0x0;
	s22 =	sadd.s32 @!p3 s15, s21;
	[sflag:s26] =	ssyncadd.s32 $0xFFFFE000  }
0xc9: {  	[tilespmem:s19], [sflag:$0x1] =	stream.linear.gather @!p3 [hbm4b:s22+s19], $0x80, $0x38;
	[tilespmem:$0x1FA00] =	vst v63  }
0xca: {  	s21 =	sadd.s32 @!p3 s16, s21;
	s22 =	simm.s32 @!p3 $0x80  }
0xcb: {  	[tilespmem:s22], [sflag:$0x2] =	stream.linear.gather @!p3 [hbm4b:s21+s19], $0x80, $0x38;
	[tilespmem:$0x1FA00] =	vst v63  }
0xcc: {  	s22 =	sand.u32 $0x1, s18  }
0xcd: {  	p4 =	seq.s32 s22, $0x1  }
.Ltmp9:
0xce: {  	_ = 	snop;
	(pc) =	sbr.rel @p4 .LBB2_12-.Ltmp9, $2  }
0xcf: {  	_ =	sdelay $0x2  }
0xd0: {  	s20 =	sshll.u32 @!p3 s20, $0xB  }
0xd1: {  	_ =	swait.ge [sflag:s28], $0x4000  }
0xd2: {  	[sflag:s28] =	ssyncset.done $0x0  }
0xd3: {  	s20 =	sadd.s32 @!p3 s4, s20;
	s21 =	simm.s32 @!p3 $0x4180;
	[sflag:s28] =	ssyncadd.s32 $0xFFFFC000  }
0xd4: {  	[tilespmem:s21], [sflag:$0x5] =	stream.linear.gather @!p3 [hbm4b:s20+s19], $0x4000, $0x38;
	[tilespmem:$0x1FA00] =	vst v63  }
0xd5: {  	s19 =	simm.s32 $0x0  }
0xd6: {  	v7 =	vld [tilespmem:s19+$0x180]  }
0xd7: {  	v12 =	vld [tilespmem:s19+$0x190]  }
0xd8: {  	v6 =	vld [tilespmem:s19+$0x1A0]  }
0xd9: {  	v5 =	vld [tilespmem:s19+$0x1B0]  }
0xda: {  	v4 =	vld [tilespmem:s19+$0x1C0]  }
0xdb: {  	v3 =	vld [tilespmem:s19+$0x1D0]  }
0xdc: {  	v2 =	vld [tilespmem:s19+$0x1E0]  }
0xdd: {  	v1 =	vld [tilespmem:s19+$0x1F0]  }
0xde: {  	v13 =	vld [tilespmem:s19+$0x8180]  }
0xdf: {  	v14 =	vld [tilespmem:s19+$0x8190]  }
0xe0: {  	v11 =	vld [tilespmem:s19+$0x81A0]  }
0xe1: {  	v10 =	vld [tilespmem:s19+$0x81B0]  }
0xe2: {  	v9 =	vld [tilespmem:s19+$0x81C0]  }
0xe3: {  	v8 =	vld [tilespmem:s19+$0x81D0];
	v13 =	vadd.f32 v7, v13  }
0xe4: {  	s20 =	simm.s32 $0x200;
	v12 =	vadd.f32 v12, v14;
	v7 =	vld [tilespmem:s19+$0x81E0]  }
.LBB2_10:
0xe5: {  	s21 =	sshra.s32 s20, $0x2;
	p3 =	seq.s32 s20, $0xFE00;
	v13 =	vmax.f32 v13, $0.0e+00;
	v6 =	vadd.f32 v6, v11;
	v11 =	vld [tilespmem:s19+$0x81F0]  }
0xe6: {  	v14 =	vld [tilespmem:s21+$0x180];
	[tilespmem:s19+$0x8180] =	vst v13;
	v12 =	vmax.f32 v12, $0.0e+00;
	v5 =	vadd.f32 v5, v10  }
0xe7: {  	v15 =	vld [tilespmem:s21+$0x190];
	[tilespmem:s19+$0x8190] =	vst v12;
	v10 =	vmax.f32 v6, $0.0e+00;
	v4 =	vadd.f32 v4, v9  }
0xe8: {  	v6 =	vld [tilespmem:s21+$0x1A0];
	[tilespmem:s19+$0x81A0] =	vst v10;
	v9 =	vmax.f32 v5, $0.0e+00;
	v3 =	vadd.f32 v3, v8  }
0xe9: {  	v5 =	vld [tilespmem:s21+$0x1B0];
	[tilespmem:s19+$0x81B0] =	vst v9;
	v8 =	vmax.f32 v4, $0.0e+00;
	v2 =	vadd.f32 v2, v7  }
0xea: {  	v4 =	vld [tilespmem:s21+$0x1C0];
	[tilespmem:s19+$0x81C0] =	vst v8;
	v7 =	vmax.f32 v3, $0.0e+00;
	v1 =	vadd.f32 v1, v11  }
0xeb: {  	v3 =	vld [tilespmem:s21+$0x1D0];
	[tilespmem:s19+$0x81D0] =	vst v7;
	v7 =	vmax.f32 v2, $0.0e+00  }
0xec: {  	v2 =	vld [tilespmem:s21+$0x1E0];
	[tilespmem:s19+$0x81E0] =	vst v7;
	v7 =	vmax.f32 v1, $0.0e+00  }
0xed: {  	v1 =	vld [tilespmem:s21+$0x1F0];
	[tilespmem:s19+$0x81F0] =	vst v7;
	s19 =	smov.u32 s21  }
0xee: {  	v7 =	vld [tilespmem:s19+$0x8180]  }
0xef: {  	v12 =	vld [tilespmem:s19+$0x8190]  }
.Ltmp10:
0xf0: {  	v11 =	vld [tilespmem:s19+$0x81A0];
	(pc) =	sbr.rel @!p3 .LBB2_10-.Ltmp10, $4  }
0xf1: {  	v10 =	vld [tilespmem:s19+$0x81B0]  }
0xf2: {  	v9 =	vld [tilespmem:s19+$0x81C0]  }
0xf3: {  	v13 =	vadd.f32 v14, v7;
	v8 =	vld [tilespmem:s19+$0x81D0]  }
0xf4: {  	s20 =	sadd.s32 $0x200, s20;
	v12 =	vadd.f32 v15, v12;
	v7 =	vld [tilespmem:s19+$0x81E0]  }
0xf5: {  	v13 =	vmax.f32 v13, $0.0e+00;
	v6 =	vadd.f32 v6, v11;
	v63 =	vld [tilespmem:s19+$0x81F0]  }
0xf6: {  	[tilespmem:s19+$0x8180] =	vst v13;
	v12 =	vmax.f32 v12, $0.0e+00;
	v5 =	vadd.f32 v5, v10  }
0xf7: {  	[tilespmem:s19+$0x8190] =	vst v12;
	v6 =	vmax.f32 v6, $0.0e+00;
	v4 =	vadd.f32 v4, v9  }
0xf8: {  	[tilespmem:s19+$0x81A0] =	vst v6;
	v5 =	vmax.f32 v5, $0.0e+00;
	v3 =	vadd.f32 v3, v8  }
.Ltmp11:
0xf9: {  	[tilespmem:s19+$0x81B0] =	vst v5;
	v4 =	vmax.f32 v4, $0.0e+00;
	v2 =	vadd.f32 v2, v7;
	(pc) =	sbr.rel .LBB2_15-.Ltmp11, $4  }
0xfa: {  	[tilespmem:s19+$0x81C0] =	vst v4;
	v3 =	vmax.f32 v3, $0.0e+00;
	v1 =	vadd.f32 v1, v63  }
0xfb: {  	[tilespmem:s19+$0x81D0] =	vst v3;
	v2 =	vmax.f32 v2, $0.0e+00  }
0xfc: {  	[tilespmem:s19+$0x81E0] =	vst v2;
	v1 =	vmax.f32 v1, $0.0e+00  }
0xfd: {  	[tilespmem:s19+$0x81F0] =	vst v1  }
.LBB2_12:
0xfe: {  	_ =	swait.ge [sflag:s30], $0x4000  }
0xff: {  	[sflag:s30] =	ssyncset.done $0x0  }
0x100: {  	s20 =	sadd.s32 @!p3 s4, s20;
	s21 =	simm.s32 @!p3 $0x180;
	[sflag:s30] =	ssyncadd.s32 $0xFFFFC000  }
0x101: {  	[tilespmem:s21], [sflag:$0x4] =	stream.linear.gather @!p3 [hbm4b:s20+s19], $0x4000, $0x38;
	[tilespmem:$0x1FA00] =	vst v63  }
0x102: {  	s19 =	simm.s32 $0x0  }
0x103: {  	v7 =	vld [tilespmem:s19+$0x4180]  }
0x104: {  	v12 =	vld [tilespmem:s19+$0x4190]  }
0x105: {  	v6 =	vld [tilespmem:s19+$0x41A0]  }
0x106: {  	v5 =	vld [tilespmem:s19+$0x41B0]  }
0x107: {  	v4 =	vld [tilespmem:s19+$0x41C0]  }
0x108: {  	v3 =	vld [tilespmem:s19+$0x41D0]  }
0x109: {  	v2 =	vld [tilespmem:s19+$0x41E0]  }
0x10a: {  	v1 =	vld [tilespmem:s19+$0x41F0]  }
0x10b: {  	v13 =	vld [tilespmem:s19+$0x8180]  }
0x10c: {  	v14 =	vld [tilespmem:s19+$0x8190]  }
0x10d: {  	v11 =	vld [tilespmem:s19+$0x81A0]  }
0x10e: {  	v10 =	vld [tilespmem:s19+$0x81B0]  }
0x10f: {  	v9 =	vld [tilespmem:s19+$0x81C0]  }
0x110: {  	v8 =	vld [tilespmem:s19+$0x81D0];
	v13 =	vadd.f32 v7, v13  }
0x111: {  	s20 =	simm.s32 $0x200;
	v12 =	vadd.f32 v12, v14;
	v7 =	vld [tilespmem:s19+$0x81E0]  }
.LBB2_13:
0x112: {  	s21 =	sshra.s32 s20, $0x2;
	p3 =	sne.s32 s20, $0xFE00;
	v13 =	vmax.f32 v13, $0.0e+00;
	v6 =	vadd.f32 v6, v11;
	v11 =	vld [tilespmem:s19+$0x81F0]  }
0x113: {  	v12 =	vmax.f32 v12, $0.0e+00;
	v5 =	vadd.f32 v5, v10;
	v14 =	vld [tilespmem:s21+$0x4180];
	[tilespmem:s19+$0x8180] =	vst v13  }
0x114: {  	v4 =	vadd.f32 v4, v9;
	v15 =	vld [tilespmem:s21+$0x4190];
	[tilespmem:s19+$0x8190] =	vst v12;
	v10 =	vmax.f32 v6, $0.0e+00  }
0x115: {  	v3 =	vadd.f32 v3, v8;
	v9 =	vmax.f32 v5, $0.0e+00;
	v6 =	vld [tilespmem:s21+$0x41A0];
	[tilespmem:s19+$0x81A0] =	vst v10  }
0x116: {  	v2 =	vadd.f32 v2, v7;
	v8 =	vmax.f32 v4, $0.0e+00;
	v5 =	vld [tilespmem:s21+$0x41B0];
	[tilespmem:s19+$0x81B0] =	vst v9  }
0x117: {  	v7 =	vmax.f32 v3, $0.0e+00;
	v4 =	vld [tilespmem:s21+$0x41C0];
	[tilespmem:s19+$0x81C0] =	vst v8;
	v1 =	vadd.f32 v1, v11  }
0x118: {  	v3 =	vld [tilespmem:s21+$0x41D0];
	[tilespmem:s19+$0x81D0] =	vst v7;
	v7 =	vmax.f32 v2, $0.0e+00  }
0x119: {  	v2 =	vld [tilespmem:s21+$0x41E0];
	[tilespmem:s19+$0x81E0] =	vst v7;
	v7 =	vmax.f32 v1, $0.0e+00  }
0x11a: {  	v1 =	vld [tilespmem:s21+$0x41F0];
	[tilespmem:s19+$0x81F0] =	vst v7;
	s19 =	smov.u32 s21  }
0x11b: {  	v7 =	vld [tilespmem:s19+$0x8180]  }
0x11c: {  	v12 =	vld [tilespmem:s19+$0x8190]  }
.Ltmp12:
0x11d: {  	v11 =	vld [tilespmem:s19+$0x81A0];
	(pc) =	sbr.rel @p3 .LBB2_13-.Ltmp12, $4  }
0x11e: {  	v10 =	vld [tilespmem:s19+$0x81B0]  }
0x11f: {  	v9 =	vld [tilespmem:s19+$0x81C0]  }
0x120: {  	v13 =	vadd.f32 v14, v7;
	v8 =	vld [tilespmem:s19+$0x81D0]  }
0x121: {  	s20 =	sadd.s32 $0x200, s20;
	v12 =	vadd.f32 v15, v12;
	v7 =	vld [tilespmem:s19+$0x81E0]  }
.Ltmp13:
0x122: {  	_ = 	snop;
	(pc) =	sbr.rel .LBB2_14-.Ltmp13, $1  }
0x123: {  	_ =	sdelay $0x3  }
.LBB2_18:
0x124: {  	_ =	sfence.sel $0x180000  }
0x125: {  	[bflag:$0x0] =	sbarrier.arrive $0xFFFF  }
0x126: {  	_ =	strace $0x90000047  }
0x127: {  	s0 =	stileid.u32;
	[bflag:$0x2] =	sbarrier.arrive $0xFFFF  }
0x128: {  	p0 =	sne.s32 s0, $0x0;
	s0 =	rddreg [dreg:$0x5]  }
0x129: {  	s0 =	sadd.s32 @!p0 $0x100000, s0  }
0x12a: {  	[sflag:s0] =	ssyncadd.tile.s32 @!p0 $0x1;
	_ =	shalt  }
.Lfunc_end2:
_tile_overlayer_lowered:
.L_overlay_start_2:
0x12b: {  	(tag) =	ssettag $0x2  }
0x12c: {  	s0 =	rddreg [dreg:$0x0];
	s2 =	stileid.u32  }
0x12d: {  	s1 =	rddreg [dreg:$0x1];
	p0 =	sne.s32 s2, $0x0  }
0x12e: {  	s3 =	rddreg [dreg:$0x2];
	[bflag:$0x3] =	sbarrier.arrive $0xFFFF;
	s2 =	simm.s32 @!p0 $0x1C09  }
0x12f: {  	[timem:s3], [sflag:s2] =	dma.local @!p0 [hbm:s0], s1  }
0x130: {  	s0 =	simm.s32 @!p0 $0x9  }
0x131: {  	_ =	swait.ge @!p0 [sflag:s0], s1  }
0x132: {  	s1 =	ssub.s32 @!p0 $0x0, s1;
	[sflag:s0] =	ssyncset.done @!p0 $0x0  }
0x133: {  	[sflag:s0] =	ssyncadd.s32 @!p0 s1  }
0x134: {  	[bflag:$0x3] =	sbarrier.arrive $0xFFFF  }
0x135: {  	_ =	shalt  }

</sc_bundles>
